<compile_context>
chip_gen: v7x
topology: tpu7x:2x2x1
jax: 0.10.2.dev20260603
libtpu: 0.0.44.dev20260713+nightly
codegen_flags: <defaults>
</compile_context>

<pallas_src>
import functools

import jax
import jax.numpy as jnp
from jax import lax
from jax.experimental import pallas as pl
from jax.experimental.pallas import tpu as pltpu
from jax.experimental.pallas import tpu_sc as plsc

NUM_TABLES = 4
VOCAB = 100000
EMB = 32
B = 4096
L = 50

BLK = 128
NBUF = 4
GAHEAD = 2


def _sc_gather_concat(idxt, t0, t1, t2, t3):
    info = plsc.get_sparse_core_info()
    nc, ns = info.num_cores, info.num_subcores
    nw = nc * ns
    assert B == nw * BLK

    mesh = plsc.VectorSubcoreMesh(core_axis_name="c", subcore_axis_name="s")

    @functools.partial(
        pl.kernel,
        mesh=mesh,
        compiler_params=pltpu.CompilerParams(use_tc_tiling_on_sc=False,
                                             skip_device_barrier=True),
        out_type=jax.ShapeDtypeStruct((L, B, NUM_TABLES * EMB), jnp.float32),
        scratch_types=[
            pltpu.VMEM((L, NUM_TABLES, BLK), jnp.int32),
            pltpu.VMEM((NBUF, NUM_TABLES, BLK, EMB), jnp.float32),
            pltpu.SemaphoreType.DMA((NBUF,)),
            pltpu.SemaphoreType.DMA((NBUF,)),
        ],
    )
    def k(idx_hbm, tb0, tb1, tb2, tb3, out_hbm, idx_v, tmp_v, gsem, wsem):
        tables = (tb0, tb1, tb2, tb3)
        wid = lax.axis_index("s") * nc + lax.axis_index("c")
        b0 = wid * BLK

        pltpu.sync_copy(idx_hbm.at[:, wid], idx_v)

        def gdescs(l, p):
            return [pltpu.make_async_copy(
                tables[t].at[idx_v.at[l, t]],
                tmp_v.at[p, t],
                gsem.at[p]) for t in range(NUM_TABLES)]

        def wdescs(l, p):
            return [pltpu.make_async_copy(
                tmp_v.at[p, t],
                out_hbm.at[l, pl.ds(b0, BLK), pl.ds(t * EMB, EMB)],
                wsem.at[p]) for t in range(NUM_TABLES)]

        for l in range(GAHEAD):
            for d in gdescs(l, l):
                d.start()

        def body(l, _):
            p = lax.rem(l, NBUF)

            @pl.when(l + GAHEAD < L)
            def _():
                q = lax.rem(l + GAHEAD, NBUF)

                @pl.when(l - (NBUF - GAHEAD) >= 0)
                def _():
                    for d in wdescs(l - (NBUF - GAHEAD), q):
                        d.wait()

                for d in gdescs(l + GAHEAD, q):
                    d.start()

            for d in gdescs(l, p):
                d.wait()

            for d in wdescs(l, p):
                d.start()
            return ()

        lax.fori_loop(0, L, body, (), unroll=False)
        for l in range(L - NBUF, L):
            for d in wdescs(l, l % NBUF):
                d.wait()

    return k(idxt, t0, t1, t2, t3)


def kernel(inputs, table0, table1, table2, table3):
    idxt = (inputs.astype(jnp.int32).transpose(2, 1, 0)
            .reshape(L, B // BLK, BLK, NUM_TABLES)
            .transpose(0, 1, 3, 2))
    out = _sc_gather_concat(idxt, table0, table1, table2, table3)
    return out.transpose(1, 0, 2)

# --- scband reference (transcript-rebuilt; emitter-appended) ---
"""Pipeline reference for scband-rg-model-22625887715682 (READ-ONLY COPY).

The authoritative reference and input builder live on the scoring server;
editing this copy changes nothing except your own understanding.
"""

import jax, jax.numpy as jnp
import numpy as np

NUM_TABLES = 4
VOCAB = 100000
EMB = 32
B = 4096
L = 50


def setup_inputs(seed: int = 0) -> dict:
    key = jax.random.key(seed)
    k_idx, k0, k1, k2, k3 = jax.random.split(key, 5)
    inputs = jax.random.randint(k_idx, (NUM_TABLES, B, L), 0, VOCAB, dtype=jnp.int64 if jax.config.jax_enable_x64 else jnp.int32)
    table0 = jax.random.normal(k0, (VOCAB, EMB), dtype=jnp.float32)
    table1 = jax.random.normal(k1, (VOCAB, EMB), dtype=jnp.float32)
    table2 = jax.random.normal(k2, (VOCAB, EMB), dtype=jnp.float32)
    table3 = jax.random.normal(k3, (VOCAB, EMB), dtype=jnp.float32)
    return {"inputs": inputs, "table0": table0, "table1": table1, "table2": table2, "table3": table3}


def reference(inputs, table0, table1, table2, table3):
    # RgModel.run_embeddings: per-field embedding lookup, concat along feature dim.
    tables = [table0, table1, table2, table3]
    embedded = [jnp.take(tables[i], inputs[i], axis=0) for i in range(NUM_TABLES)]  # each [B, L, EMB]
    return jnp.concatenate(embedded, axis=2)  # [B, L, NUM_TABLES * EMB]

if __name__ == "__main__":
    import jax
    _d = setup_inputs()
    print(jax.jit(kernel)(*tuple(_d.values())))

</pallas_src>

<mosaic_0001>
#map = affine_map<(d0, d1) -> (0, 0, 0, 0)>
#map1 = affine_map<(d0, d1) -> (0, 0)>
#map2 = affine_map<(d0, d1) -> (0, 0, 0)>
module attributes {stable_mosaic.version = 14 : i64} {
  func.func @k(%arg0: i32, %arg1: i32, %arg2: memref<50x32x4x128xi32, #tpu.memory_space<hbm>>, %arg3: memref<100000x32xf32, #tpu.memory_space<hbm>>, %arg4: memref<100000x32xf32, #tpu.memory_space<hbm>>, %arg5: memref<100000x32xf32, #tpu.memory_space<hbm>>, %arg6: memref<100000x32xf32, #tpu.memory_space<hbm>>, %arg7: memref<50x4096x128xf32, #tpu.memory_space<hbm>>, %arg8: memref<50x4x128xi32, #tpu.memory_space<vmem>>, %arg9: memref<4x4x128x32xf32, #tpu.memory_space<vmem>>, %arg10: memref<4x!tpu.dma_semaphore, #tpu.memory_space<semaphore_mem>>, %arg11: memref<4x!tpu.dma_semaphore, #tpu.memory_space<semaphore_mem>>) attributes {dimension_semantics = [#tpu.dimension_semantics<core_parallel>, #tpu.dimension_semantics<subcore_parallel>], iteration_bounds = array<i64: 2, 16>, scalar_prefetch = 0 : i64, scratch_operands = 4 : i64, tpu.core_type = #tpu.core_type<sc_vector_subcore>, window_params = [{transform_indices = #map}, {transform_indices = #map1}, {transform_indices = #map1}, {transform_indices = #map1}, {transform_indices = #map1}, {transform_indices = #map2}]} {
    %mul3A = arith.constant 2 : i32
    %mul3A_0 = arith.muli %arg1, %mul3A : i32
    %add3A = arith.addi %mul3A_0, %arg0 : i32
    %mul3A_1 = arith.constant 128 : i32
    %mul3A_2 = arith.muli %add3A, %mul3A_1 : i32
    "tpu.region"() ({
      %run_scoped3A = tpu.sem_alloc : memref<!tpu.dma_semaphore, #tpu.memory_space<semaphore_mem>>
      %dma_start3A_461 = arith.constant 0 : i32
      %dma_start3A_462 = arith.constant 0 : i32
      %dma_start3A_463 = arith.constant 0 : i32
      %dma_start3A_464 = tpu.memref_slice %arg2[%dma_start3A_461, %add3A, %dma_start3A_462, %dma_start3A_463] : memref<50x32x4x128xi32, #tpu.memory_space<hbm>> -> memref<50x1x4x128xi32, #tpu.memory_space<hbm>>
      %dma_start3A_465 = tpu.memref_squeeze %dma_start3A_464 : memref<50x1x4x128xi32, #tpu.memory_space<hbm>> -> memref<50x4x128xi32, #tpu.memory_space<hbm>>
      %dma_start3A_466 = arith.constant 0 : i32
      %dma_start3A_467 = arith.constant 0 : i32
      %dma_start3A_468 = arith.constant 0 : i32
      %dma_start3A_469 = tpu.memref_slice %arg2[%dma_start3A_466, %add3A, %dma_start3A_467, %dma_start3A_468] : memref<50x32x4x128xi32, #tpu.memory_space<hbm>> -> memref<50x1x4x128xi32, #tpu.memory_space<hbm>>
      %dma_start3A_470 = tpu.memref_squeeze %dma_start3A_469 : memref<50x1x4x128xi32, #tpu.memory_space<hbm>> -> memref<50x4x128xi32, #tpu.memory_space<hbm>>
      tpu.enqueue_dma source(%dma_start3A_470 : memref<50x4x128xi32, #tpu.memory_space<hbm>>) target(%arg8 : memref<50x4x128xi32, #tpu.memory_space<vmem>>) target_semaphore(%run_scoped3A : memref<!tpu.dma_semaphore, #tpu.memory_space<semaphore_mem>>)
      %dma_wait3A_471 = arith.constant 0 : i32
      %dma_wait3A_472 = arith.constant 0 : i32
      %dma_wait3A_473 = arith.constant 0 : i32
      %dma_wait3A_474 = tpu.memref_slice %arg2[%dma_wait3A_471, %add3A, %dma_wait3A_472, %dma_wait3A_473] : memref<50x32x4x128xi32, #tpu.memory_space<hbm>> -> memref<50x1x4x128xi32, #tpu.memory_space<hbm>>
      %dma_wait3A_475 = tpu.memref_squeeze %dma_wait3A_474 : memref<50x1x4x128xi32, #tpu.memory_space<hbm>> -> memref<50x4x128xi32, #tpu.memory_space<hbm>>
      %dma_wait3A_476 = arith.constant 0 : i32
      %dma_wait3A_477 = arith.constant 0 : i32
      %dma_wait3A_478 = arith.constant 0 : i32
      %dma_wait3A_479 = tpu.memref_slice %arg2[%dma_wait3A_476, %add3A, %dma_wait3A_477, %dma_wait3A_478] : memref<50x32x4x128xi32, #tpu.memory_space<hbm>> -> memref<50x1x4x128xi32, #tpu.memory_space<hbm>>
      %dma_wait3A_480 = tpu.memref_squeeze %dma_wait3A_479 : memref<50x1x4x128xi32, #tpu.memory_space<hbm>> -> memref<50x4x128xi32, #tpu.memory_space<hbm>>
      tpu.wait_dma2 semaphore(%run_scoped3A : memref<!tpu.dma_semaphore, #tpu.memory_space<semaphore_mem>>) src(%dma_wait3A_480 : memref<50x4x128xi32, #tpu.memory_space<hbm>>) dst(%arg8 : memref<50x4x128xi32, #tpu.memory_space<vmem>>)
      tpu.yield
    }) : () -> ()
    %dma_start3A = arith.constant 0 : i32
    %dma_start3A_3 = arith.constant 0 : i32
    %dma_start3A_4 = arith.constant 0 : i32
    %dma_start3A_5 = arith.constant 0 : i32
    %dma_start3A_6 = arith.constant 0 : i32
    %dma_start3A_7 = arith.constant 0 : i32
    %dma_start3A_8 = arith.constant 0 : i32
    %dma_start3A_9 = tpu.memref_slice %arg9[%dma_start3A_4, %dma_start3A_5, %dma_start3A_7, %dma_start3A_8] : memref<4x4x128x32xf32, #tpu.memory_space<vmem>> -> memref<1x1x128x32xf32, #tpu.memory_space<vmem>>
    %dma_start3A_10 = tpu.memref_squeeze %dma_start3A_9 : memref<1x1x128x32xf32, #tpu.memory_space<vmem>> -> memref<128x32xf32, #tpu.memory_space<vmem>>
    %dma_start3A_11 = arith.constant 0 : i32
    %dma_start3A_12 = tpu.memref_slice %arg8[%dma_start3A, %dma_start3A_3, %dma_start3A_11] : memref<50x4x128xi32, #tpu.memory_space<vmem>> -> memref<1x1x128xi32, #tpu.memory_space<vmem>>
    %dma_start3A_13 = tpu.memref_squeeze %dma_start3A_12 : memref<1x1x128xi32, #tpu.memory_space<vmem>> -> memref<128xi32, #tpu.memory_space<vmem>>
    %dma_start3A_14 = arith.constant 0 : i32
    %dma_start3A_15 = arith.constant 0 : i32
    %dma_start3A_16 = tpu.memref_slice %arg3[%dma_start3A_14, %dma_start3A_15] : memref<100000x32xf32, #tpu.memory_space<hbm>> -> memref<100000x32xf32, #tpu.memory_space<hbm>>
    %dma_start3A_17 = tpu.memref_slice %arg10[%dma_start3A_6] : memref<4x!tpu.dma_semaphore, #tpu.memory_space<semaphore_mem>> -> memref<1x!tpu.dma_semaphore, #tpu.memory_space<semaphore_mem>>
    %dma_start3A_18 = tpu.memref_squeeze %dma_start3A_17 : memref<1x!tpu.dma_semaphore, #tpu.memory_space<semaphore_mem>> -> memref<!tpu.dma_semaphore, #tpu.memory_space<semaphore_mem>>
    tpu.enqueue_indirect_dma source(%dma_start3A_16 : memref<100000x32xf32, #tpu.memory_space<hbm>>) target(%dma_start3A_10 : memref<128x32xf32, #tpu.memory_space<vmem>>) offsets(%dma_start3A_13 : memref<128xi32, #tpu.memory_space<vmem>>) semaphore(%dma_start3A_18 : memref<!tpu.dma_semaphore, #tpu.memory_space<semaphore_mem>>)
    %dma_start3A_19 = arith.constant 0 : i32
    %dma_start3A_20 = arith.constant 1 : i32
    %dma_start3A_21 = arith.constant 0 : i32
    %dma_start3A_22 = arith.constant 1 : i32
    %dma_start3A_23 = arith.constant 0 : i32
    %dma_start3A_24 = arith.constant 0 : i32
    %dma_start3A_25 = arith.constant 0 : i32
    %dma_start3A_26 = tpu.memref_slice %arg9[%dma_start3A_21, %dma_start3A_22, %dma_start3A_24, %dma_start3A_25] : memref<4x4x128x32xf32, #tpu.memory_space<vmem>> -> memref<1x1x128x32xf32, #tpu.memory_space<vmem>>
    %dma_start3A_27 = tpu.memref_squeeze %dma_start3A_26 : memref<1x1x128x32xf32, #tpu.memory_space<vmem>> -> memref<128x32xf32, #tpu.memory_space<vmem>>
    %dma_start3A_28 = arith.constant 0 : i32
    %dma_start3A_29 = tpu.memref_slice %arg8[%dma_start3A_19, %dma_start3A_20, %dma_start3A_28] : memref<50x4x128xi32, #tpu.memory_space<vmem>> -> memref<1x1x128xi32, #tpu.memory_space<vmem>>
    %dma_start3A_30 = tpu.memref_squeeze %dma_start3A_29 : memref<1x1x128xi32, #tpu.memory_space<vmem>> -> memref<128xi32, #tpu.memory_space<vmem>>
    %dma_start3A_31 = arith.constant 0 : i32
    %dma_start3A_32 = arith.constant 0 : i32
    %dma_start3A_33 = tpu.memref_slice %arg4[%dma_start3A_31, %dma_start3A_32] : memref<100000x32xf32, #tpu.memory_space<hbm>> -> memref<100000x32xf32, #tpu.memory_space<hbm>>
    %dma_start3A_34 = tpu.memref_slice %arg10[%dma_start3A_23] : memref<4x!tpu.dma_semaphore, #tpu.memory_space<semaphore_mem>> -> memref<1x!tpu.dma_semaphore, #tpu.memory_space<semaphore_mem>>
    %dma_start3A_35 = tpu.memref_squeeze %dma_start3A_34 : memref<1x!tpu.dma_semaphore, #tpu.memory_space<semaphore_mem>> -> memref<!tpu.dma_semaphore, #tpu.memory_space<semaphore_mem>>
    tpu.enqueue_indirect_dma source(%dma_start3A_33 : memref<100000x32xf32, #tpu.memory_space<hbm>>) target(%dma_start3A_27 : memref<128x32xf32, #tpu.memory_space<vmem>>) offsets(%dma_start3A_30 : memref<128xi32, #tpu.memory_space<vmem>>) semaphore(%dma_start3A_35 : memref<!tpu.dma_semaphore, #tpu.memory_space<semaphore_mem>>)
    %dma_start3A_36 = arith.constant 0 : i32
    %dma_start3A_37 = arith.constant 2 : i32
    %dma_start3A_38 = arith.constant 0 : i32
    %dma_start3A_39 = arith.constant 2 : i32
    %dma_start3A_40 = arith.constant 0 : i32
    %dma_start3A_41 = arith.constant 0 : i32
    %dma_start3A_42 = arith.constant 0 : i32
    %dma_start3A_43 = tpu.memref_slice %arg9[%dma_start3A_38, %dma_start3A_39, %dma_start3A_41, %dma_start3A_42] : memref<4x4x128x32xf32, #tpu.memory_space<vmem>> -> memref<1x1x128x32xf32, #tpu.memory_space<vmem>>
    %dma_start3A_44 = tpu.memref_squeeze %dma_start3A_43 : memref<1x1x128x32xf32, #tpu.memory_space<vmem>> -> memref<128x32xf32, #tpu.memory_space<vmem>>
    %dma_start3A_45 = arith.constant 0 : i32
    %dma_start3A_46 = tpu.memref_slice %arg8[%dma_start3A_36, %dma_start3A_37, %dma_start3A_45] : memref<50x4x128xi32, #tpu.memory_space<vmem>> -> memref<1x1x128xi32, #tpu.memory_space<vmem>>
    %dma_start3A_47 = tpu.memref_squeeze %dma_start3A_46 : memref<1x1x128xi32, #tpu.memory_space<vmem>> -> memref<128xi32, #tpu.memory_space<vmem>>
    %dma_start3A_48 = arith.constant 0 : i32
    %dma_start3A_49 = arith.constant 0 : i32
    %dma_start3A_50 = tpu.memref_slice %arg5[%dma_start3A_48, %dma_start3A_49] : memref<100000x32xf32, #tpu.memory_space<hbm>> -> memref<100000x32xf32, #tpu.memory_space<hbm>>
    %dma_start3A_51 = tpu.memref_slice %arg10[%dma_start3A_40] : memref<4x!tpu.dma_semaphore, #tpu.memory_space<semaphore_mem>> -> memref<1x!tpu.dma_semaphore, #tpu.memory_space<semaphore_mem>>
    %dma_start3A_52 = tpu.memref_squeeze %dma_start3A_51 : memref<1x!tpu.dma_semaphore, #tpu.memory_space<semaphore_mem>> -> memref<!tpu.dma_semaphore, #tpu.memory_space<semaphore_mem>>
    tpu.enqueue_indirect_dma source(%dma_start3A_50 : memref<100000x32xf32, #tpu.memory_space<hbm>>) target(%dma_start3A_44 : memref<128x32xf32, #tpu.memory_space<vmem>>) offsets(%dma_start3A_47 : memref<128xi32, #tpu.memory_space<vmem>>) semaphore(%dma_start3A_52 : memref<!tpu.dma_semaphore, #tpu.memory_space<semaphore_mem>>)
    %dma_start3A_53 = arith.constant 0 : i32
    %dma_start3A_54 = arith.constant 3 : i32
    %dma_start3A_55 = arith.constant 0 : i32
    %dma_start3A_56 = arith.constant 3 : i32
    %dma_start3A_57 = arith.constant 0 : i32
    %dma_start3A_58 = arith.constant 0 : i32
    %dma_start3A_59 = arith.constant 0 : i32
    %dma_start3A_60 = tpu.memref_slice %arg9[%dma_start3A_55, %dma_start3A_56, %dma_start3A_58, %dma_start3A_59] : memref<4x4x128x32xf32, #tpu.memory_space<vmem>> -> memref<1x1x128x32xf32, #tpu.memory_space<vmem>>
    %dma_start3A_61 = tpu.memref_squeeze %dma_start3A_60 : memref<1x1x128x32xf32, #tpu.memory_space<vmem>> -> memref<128x32xf32, #tpu.memory_space<vmem>>
    %dma_start3A_62 = arith.constant 0 : i32
    %dma_start3A_63 = tpu.memref_slice %arg8[%dma_start3A_53, %dma_start3A_54, %dma_start3A_62] : memref<50x4x128xi32, #tpu.memory_space<vmem>> -> memref<1x1x128xi32, #tpu.memory_space<vmem>>
    %dma_start3A_64 = tpu.memref_squeeze %dma_start3A_63 : memref<1x1x128xi32, #tpu.memory_space<vmem>> -> memref<128xi32, #tpu.memory_space<vmem>>
    %dma_start3A_65 = arith.constant 0 : i32
    %dma_start3A_66 = arith.constant 0 : i32
    %dma_start3A_67 = tpu.memref_slice %arg6[%dma_start3A_65, %dma_start3A_66] : memref<100000x32xf32, #tpu.memory_space<hbm>> -> memref<100000x32xf32, #tpu.memory_space<hbm>>
    %dma_start3A_68 = tpu.memref_slice %arg10[%dma_start3A_57] : memref<4x!tpu.dma_semaphore, #tpu.memory_space<semaphore_mem>> -> memref<1x!tpu.dma_semaphore, #tpu.memory_space<semaphore_mem>>
    %dma_start3A_69 = tpu.memref_squeeze %dma_start3A_68 : memref<1x!tpu.dma_semaphore, #tpu.memory_space<semaphore_mem>> -> memref<!tpu.dma_semaphore, #tpu.memory_space<semaphore_mem>>
    tpu.enqueue_indirect_dma source(%dma_start3A_67 : memref<100000x32xf32, #tpu.memory_space<hbm>>) target(%dma_start3A_61 : memref<128x32xf32, #tpu.memory_space<vmem>>) offsets(%dma_start3A_64 : memref<128xi32, #tpu.memory_space<vmem>>) semaphore(%dma_start3A_69 : memref<!tpu.dma_semaphore, #tpu.memory_space<semaphore_mem>>)
    %dma_start3A_70 = arith.constant 1 : i32
    %dma_start3A_71 = arith.constant 0 : i32
    %dma_start3A_72 = arith.constant 1 : i32
    %dma_start3A_73 = arith.constant 0 : i32
    %dma_start3A_74 = arith.constant 1 : i32
    %dma_start3A_75 = arith.constant 0 : i32
    %dma_start3A_76 = arith.constant 0 : i32
    %dma_start3A_77 = tpu.memref_slice %arg9[%dma_start3A_72, %dma_start3A_73, %dma_start3A_75, %dma_start3A_76] : memref<4x4x128x32xf32, #tpu.memory_space<vmem>> -> memref<1x1x128x32xf32, #tpu.memory_space<vmem>>
    %dma_start3A_78 = tpu.memref_squeeze %dma_start3A_77 : memref<1x1x128x32xf32, #tpu.memory_space<vmem>> -> memref<128x32xf32, #tpu.memory_space<vmem>>
    %dma_start3A_79 = arith.constant 0 : i32
    %dma_start3A_80 = tpu.memref_slice %arg8[%dma_start3A_70, %dma_start3A_71, %dma_start3A_79] : memref<50x4x128xi32, #tpu.memory_space<vmem>> -> memref<1x1x128xi32, #tpu.memory_space<vmem>>
    %dma_start3A_81 = tpu.memref_squeeze %dma_start3A_80 : memref<1x1x128xi32, #tpu.memory_space<vmem>> -> memref<128xi32, #tpu.memory_space<vmem>>
    %dma_start3A_82 = arith.constant 0 : i32
    %dma_start3A_83 = arith.constant 0 : i32
    %dma_start3A_84 = tpu.memref_slice %arg3[%dma_start3A_82, %dma_start3A_83] : memref<100000x32xf32, #tpu.memory_space<hbm>> -> memref<100000x32xf32, #tpu.memory_space<hbm>>
    %dma_start3A_85 = tpu.memref_slice %arg10[%dma_start3A_74] : memref<4x!tpu.dma_semaphore, #tpu.memory_space<semaphore_mem>> -> memref<1x!tpu.dma_semaphore, #tpu.memory_space<semaphore_mem>>
    %dma_start3A_86 = tpu.memref_squeeze %dma_start3A_85 : memref<1x!tpu.dma_semaphore, #tpu.memory_space<semaphore_mem>> -> memref<!tpu.dma_semaphore, #tpu.memory_space<semaphore_mem>>
    tpu.enqueue_indirect_dma source(%dma_start3A_84 : memref<100000x32xf32, #tpu.memory_space<hbm>>) target(%dma_start3A_78 : memref<128x32xf32, #tpu.memory_space<vmem>>) offsets(%dma_start3A_81 : memref<128xi32, #tpu.memory_space<vmem>>) semaphore(%dma_start3A_86 : memref<!tpu.dma_semaphore, #tpu.memory_space<semaphore_mem>>)
    %dma_start3A_87 = arith.constant 1 : i32
    %dma_start3A_88 = arith.constant 1 : i32
    %dma_start3A_89 = arith.constant 1 : i32
    %dma_start3A_90 = arith.constant 1 : i32
    %dma_start3A_91 = arith.constant 1 : i32
    %dma_start3A_92 = arith.constant 0 : i32
    %dma_start3A_93 = arith.constant 0 : i32
    %dma_start3A_94 = tpu.memref_slice %arg9[%dma_start3A_89, %dma_start3A_90, %dma_start3A_92, %dma_start3A_93] : memref<4x4x128x32xf32, #tpu.memory_space<vmem>> -> memref<1x1x128x32xf32, #tpu.memory_space<vmem>>
    %dma_start3A_95 = tpu.memref_squeeze %dma_start3A_94 : memref<1x1x128x32xf32, #tpu.memory_space<vmem>> -> memref<128x32xf32, #tpu.memory_space<vmem>>
    %dma_start3A_96 = arith.constant 0 : i32
    %dma_start3A_97 = tpu.memref_slice %arg8[%dma_start3A_87, %dma_start3A_88, %dma_start3A_96] : memref<50x4x128xi32, #tpu.memory_space<vmem>> -> memref<1x1x128xi32, #tpu.memory_space<vmem>>
    %dma_start3A_98 = tpu.memref_squeeze %dma_start3A_97 : memref<1x1x128xi32, #tpu.memory_space<vmem>> -> memref<128xi32, #tpu.memory_space<vmem>>
    %dma_start3A_99 = arith.constant 0 : i32
    %dma_start3A_100 = arith.constant 0 : i32
    %dma_start3A_101 = tpu.memref_slice %arg4[%dma_start3A_99, %dma_start3A_100] : memref<100000x32xf32, #tpu.memory_space<hbm>> -> memref<100000x32xf32, #tpu.memory_space<hbm>>
    %dma_start3A_102 = tpu.memref_slice %arg10[%dma_start3A_91] : memref<4x!tpu.dma_semaphore, #tpu.memory_space<semaphore_mem>> -> memref<1x!tpu.dma_semaphore, #tpu.memory_space<semaphore_mem>>
    %dma_start3A_103 = tpu.memref_squeeze %dma_start3A_102 : memref<1x!tpu.dma_semaphore, #tpu.memory_space<semaphore_mem>> -> memref<!tpu.dma_semaphore, #tpu.memory_space<semaphore_mem>>
    tpu.enqueue_indirect_dma source(%dma_start3A_101 : memref<100000x32xf32, #tpu.memory_space<hbm>>) target(%dma_start3A_95 : memref<128x32xf32, #tpu.memory_space<vmem>>) offsets(%dma_start3A_98 : memref<128xi32, #tpu.memory_space<vmem>>) semaphore(%dma_start3A_103 : memref<!tpu.dma_semaphore, #tpu.memory_space<semaphore_mem>>)
    %dma_start3A_104 = arith.constant 1 : i32
    %dma_start3A_105 = arith.constant 2 : i32
    %dma_start3A_106 = arith.constant 1 : i32
    %dma_start3A_107 = arith.constant 2 : i32
    %dma_start3A_108 = arith.constant 1 : i32
    %dma_start3A_109 = arith.constant 0 : i32
    %dma_start3A_110 = arith.constant 0 : i32
    %dma_start3A_111 = tpu.memref_slice %arg9[%dma_start3A_106, %dma_start3A_107, %dma_start3A_109, %dma_start3A_110] : memref<4x4x128x32xf32, #tpu.memory_space<vmem>> -> memref<1x1x128x32xf32, #tpu.memory_space<vmem>>
    %dma_start3A_112 = tpu.memref_squeeze %dma_start3A_111 : memref<1x1x128x32xf32, #tpu.memory_space<vmem>> -> memref<128x32xf32, #tpu.memory_space<vmem>>
    %dma_start3A_113 = arith.constant 0 : i32
    %dma_start3A_114 = tpu.memref_slice %arg8[%dma_start3A_104, %dma_start3A_105, %dma_start3A_113] : memref<50x4x128xi32, #tpu.memory_space<vmem>> -> memref<1x1x128xi32, #tpu.memory_space<vmem>>
    %dma_start3A_115 = tpu.memref_squeeze %dma_start3A_114 : memref<1x1x128xi32, #tpu.memory_space<vmem>> -> memref<128xi32, #tpu.memory_space<vmem>>
    %dma_start3A_116 = arith.constant 0 : i32
    %dma_start3A_117 = arith.constant 0 : i32
    %dma_start3A_118 = tpu.memref_slice %arg5[%dma_start3A_116, %dma_start3A_117] : memref<100000x32xf32, #tpu.memory_space<hbm>> -> memref<100000x32xf32, #tpu.memory_space<hbm>>
    %dma_start3A_119 = tpu.memref_slice %arg10[%dma_start3A_108] : memref<4x!tpu.dma_semaphore, #tpu.memory_space<semaphore_mem>> -> memref<1x!tpu.dma_semaphore, #tpu.memory_space<semaphore_mem>>
    %dma_start3A_120 = tpu.memref_squeeze %dma_start3A_119 : memref<1x!tpu.dma_semaphore, #tpu.memory_space<semaphore_mem>> -> memref<!tpu.dma_semaphore, #tpu.memory_space<semaphore_mem>>
    tpu.enqueue_indirect_dma source(%dma_start3A_118 : memref<100000x32xf32, #tpu.memory_space<hbm>>) target(%dma_start3A_112 : memref<128x32xf32, #tpu.memory_space<vmem>>) offsets(%dma_start3A_115 : memref<128xi32, #tpu.memory_space<vmem>>) semaphore(%dma_start3A_120 : memref<!tpu.dma_semaphore, #tpu.memory_space<semaphore_mem>>)
    %dma_start3A_121 = arith.constant 1 : i32
    %dma_start3A_122 = arith.constant 3 : i32
    %dma_start3A_123 = arith.constant 1 : i32
    %dma_start3A_124 = arith.constant 3 : i32
    %dma_start3A_125 = arith.constant 1 : i32
    %dma_start3A_126 = arith.constant 0 : i32
    %dma_start3A_127 = arith.constant 0 : i32
    %dma_start3A_128 = tpu.memref_slice %arg9[%dma_start3A_123, %dma_start3A_124, %dma_start3A_126, %dma_start3A_127] : memref<4x4x128x32xf32, #tpu.memory_space<vmem>> -> memref<1x1x128x32xf32, #tpu.memory_space<vmem>>
    %dma_start3A_129 = tpu.memref_squeeze %dma_start3A_128 : memref<1x1x128x32xf32, #tpu.memory_space<vmem>> -> memref<128x32xf32, #tpu.memory_space<vmem>>
    %dma_start3A_130 = arith.constant 0 : i32
    %dma_start3A_131 = tpu.memref_slice %arg8[%dma_start3A_121, %dma_start3A_122, %dma_start3A_130] : memref<50x4x128xi32, #tpu.memory_space<vmem>> -> memref<1x1x128xi32, #tpu.memory_space<vmem>>
    %dma_start3A_132 = tpu.memref_squeeze %dma_start3A_131 : memref<1x1x128xi32, #tpu.memory_space<vmem>> -> memref<128xi32, #tpu.memory_space<vmem>>
    %dma_start3A_133 = arith.constant 0 : i32
    %dma_start3A_134 = arith.constant 0 : i32
    %dma_start3A_135 = tpu.memref_slice %arg6[%dma_start3A_133, %dma_start3A_134] : memref<100000x32xf32, #tpu.memory_space<hbm>> -> memref<100000x32xf32, #tpu.memory_space<hbm>>
    %dma_start3A_136 = tpu.memref_slice %arg10[%dma_start3A_125] : memref<4x!tpu.dma_semaphore, #tpu.memory_space<semaphore_mem>> -> memref<1x!tpu.dma_semaphore, #tpu.memory_space<semaphore_mem>>
    %dma_start3A_137 = tpu.memref_squeeze %dma_start3A_136 : memref<1x!tpu.dma_semaphore, #tpu.memory_space<semaphore_mem>> -> memref<!tpu.dma_semaphore, #tpu.memory_space<semaphore_mem>>
    tpu.enqueue_indirect_dma source(%dma_start3A_135 : memref<100000x32xf32, #tpu.memory_space<hbm>>) target(%dma_start3A_129 : memref<128x32xf32, #tpu.memory_space<vmem>>) offsets(%dma_start3A_132 : memref<128xi32, #tpu.memory_space<vmem>>) semaphore(%dma_start3A_137 : memref<!tpu.dma_semaphore, #tpu.memory_space<semaphore_mem>>)
    %scan3A = arith.constant 0 : i32
    %scan3A_138 = arith.constant 50 : i32
    %scan3A_139 = arith.addi %scan3A, %scan3A_138 : i32
    %scan3A_140 = arith.constant 1 : i32
    scf.for %scan3A_461 = %scan3A to %scan3A_139 step %scan3A_140  : i32 {
      %rem3A = arith.constant 4 : i32
      %rem3A_462 = arith.remsi %scan3A_461, %rem3A : i32
      %add3A_463 = arith.constant 2 : i32
      %add3A_464 = arith.addi %scan3A_461, %add3A_463 : i32
      %lt3A = arith.constant 50 : i32
      %lt3A_465 = arith.cmpi slt, %add3A_464, %lt3A : i32
      %convert_element_type3A = arith.extui %lt3A_465 : i1 to i32
      %cond3A = arith.constant 0 : i32
      %cond3A_466 = arith.cmpi ne, %convert_element_type3A, %cond3A : i32
      scf.if %cond3A_466 {
        %add3A_591 = arith.constant 2 : i32
        %add3A_592 = arith.addi %scan3A_461, %add3A_591 : i32
        %rem3A_593 = arith.constant 4 : i32
        %rem3A_594 = arith.remsi %add3A_592, %rem3A_593 : i32
        %sub3A = arith.constant 2 : i32
        %sub3A_595 = arith.subi %scan3A_461, %sub3A : i32
        %ge3A = arith.constant 0 : i32
        %ge3A_596 = arith.cmpi sge, %sub3A_595, %ge3A : i32
        %convert_element_type3A_597 = arith.extui %ge3A_596 : i1 to i32
        %cond3A_598 = arith.constant 0 : i32
        %cond3A_599 = arith.cmpi ne, %convert_element_type3A_597, %cond3A_598 : i32
        scf.if %cond3A_599 {
          %sub3A_658 = arith.constant 2 : i32
          %sub3A_659 = arith.subi %scan3A_461, %sub3A_658 : i32
          %dma_wait3A_660 = arith.constant 0 : i32
          %dma_wait3A_661 = arith.constant 0 : i32
          %dma_wait3A_662 = arith.constant 0 : i32
          %dma_wait3A_663 = tpu.memref_slice %arg9[%rem3A_594, %dma_wait3A_660, %dma_wait3A_661, %dma_wait3A_662] : memref<4x4x128x32xf32, #tpu.memory_space<vmem>> -> memref<1x1x128x32xf32, #tpu.memory_space<vmem>>
          %dma_wait3A_664 = tpu.memref_squeeze %dma_wait3A_663 : memref<1x1x128x32xf32, #tpu.memory_space<vmem>> -> memref<128x32xf32, #tpu.memory_space<vmem>>
          %dma_wait3A_665 = arith.constant 0 : i32
          %dma_wait3A_666 = tpu.memref_slice %arg7[%sub3A_659, %mul3A_2, %dma_wait3A_665] : memref<50x4096x128xf32, #tpu.memory_space<hbm>> -> memref<1x128x32xf32, #tpu.memory_space<hbm>>
          %dma_wait3A_667 = tpu.memref_squeeze %dma_wait3A_666 : memref<1x128x32xf32, #tpu.memory_space<hbm>> -> memref<128x32xf32, #tpu.memory_space<hbm>>
          %dma_wait3A_668 = tpu.memref_slice %arg11[%rem3A_594] : memref<4x!tpu.dma_semaphore, #tpu.memory_space<semaphore_mem>> -> memref<1x!tpu.dma_semaphore, #tpu.memory_space<semaphore_mem>>
          %dma_wait3A_669 = tpu.memref_squeeze %dma_wait3A_668 : memref<1x!tpu.dma_semaphore, #tpu.memory_space<semaphore_mem>> -> memref<!tpu.dma_semaphore, #tpu.memory_space<semaphore_mem>>
          %dma_wait3A_670 = arith.constant 0 : i32
          %dma_wait3A_671 = tpu.memref_slice %arg7[%sub3A_659, %mul3A_2, %dma_wait3A_670] : memref<50x4096x128xf32, #tpu.memory_space<hbm>> -> memref<1x128x32xf32, #tpu.memory_space<hbm>>
          %dma_wait3A_672 = tpu.memref_squeeze %dma_wait3A_671 : memref<1x128x32xf32, #tpu.memory_space<hbm>> -> memref<128x32xf32, #tpu.memory_space<hbm>>
          %dma_wait3A_673 = arith.constant 0 : i32
          %dma_wait3A_674 = arith.constant 0 : i32
          %dma_wait3A_675 = tpu.memref_slice %arg9[%rem3A_594, %dma_wait3A_660, %dma_wait3A_673, %dma_wait3A_674] : memref<4x4x128x32xf32, #tpu.memory_space<vmem>> -> memref<1x1x128x32xf32, #tpu.memory_space<vmem>>
          %dma_wait3A_676 = tpu.memref_squeeze %dma_wait3A_675 : memref<1x1x128x32xf32, #tpu.memory_space<vmem>> -> memref<128x32xf32, #tpu.memory_space<vmem>>
          tpu.wait_dma2 semaphore(%dma_wait3A_669 : memref<!tpu.dma_semaphore, #tpu.memory_space<semaphore_mem>>) src(%dma_wait3A_676 : memref<128x32xf32, #tpu.memory_space<vmem>>) dst(%dma_wait3A_672 : memref<128x32xf32, #tpu.memory_space<hbm>>)
          %dma_wait3A_677 = arith.constant 1 : i32
          %dma_wait3A_678 = arith.constant 0 : i32
          %dma_wait3A_679 = arith.constant 0 : i32
          %dma_wait3A_680 = tpu.memref_slice %arg9[%rem3A_594, %dma_wait3A_677, %dma_wait3A_678, %dma_wait3A_679] : memref<4x4x128x32xf32, #tpu.memory_space<vmem>> -> memref<1x1x128x32xf32, #tpu.memory_space<vmem>>
          %dma_wait3A_681 = tpu.memref_squeeze %dma_wait3A_680 : memref<1x1x128x32xf32, #tpu.memory_space<vmem>> -> memref<128x32xf32, #tpu.memory_space<vmem>>
          %dma_wait3A_682 = arith.constant 32 : i32
          %dma_wait3A_683 = tpu.memref_slice %arg7[%sub3A_659, %mul3A_2, %dma_wait3A_682] : memref<50x4096x128xf32, #tpu.memory_space<hbm>> -> memref<1x128x32xf32, #tpu.memory_space<hbm>>
          %dma_wait3A_684 = tpu.memref_squeeze %dma_wait3A_683 : memref<1x128x32xf32, #tpu.memory_space<hbm>> -> memref<128x32xf32, #tpu.memory_space<hbm>>
          %dma_wait3A_685 = tpu.memref_slice %arg11[%rem3A_594] : memref<4x!tpu.dma_semaphore, #tpu.memory_space<semaphore_mem>> -> memref<1x!tpu.dma_semaphore, #tpu.memory_space<semaphore_mem>>
          %dma_wait3A_686 = tpu.memref_squeeze %dma_wait3A_685 : memref<1x!tpu.dma_semaphore, #tpu.memory_space<semaphore_mem>> -> memref<!tpu.dma_semaphore, #tpu.memory_space<semaphore_mem>>
          %dma_wait3A_687 = arith.constant 32 : i32
          %dma_wait3A_688 = tpu.memref_slice %arg7[%sub3A_659, %mul3A_2, %dma_wait3A_687] : memref<50x4096x128xf32, #tpu.memory_space<hbm>> -> memref<1x128x32xf32, #tpu.memory_space<hbm>>
          %dma_wait3A_689 = tpu.memref_squeeze %dma_wait3A_688 : memref<1x128x32xf32, #tpu.memory_space<hbm>> -> memref<128x32xf32, #tpu.memory_space<hbm>>
          %dma_wait3A_690 = arith.constant 0 : i32
          %dma_wait3A_691 = arith.constant 0 : i32
          %dma_wait3A_692 = tpu.memref_slice %arg9[%rem3A_594, %dma_wait3A_677, %dma_wait3A_690, %dma_wait3A_691] : memref<4x4x128x32xf32, #tpu.memory_space<vmem>> -> memref<1x1x128x32xf32, #tpu.memory_space<vmem>>
          %dma_wait3A_693 = tpu.memref_squeeze %dma_wait3A_692 : memref<1x1x128x32xf32, #tpu.memory_space<vmem>> -> memref<128x32xf32, #tpu.memory_space<vmem>>
          tpu.wait_dma2 semaphore(%dma_wait3A_686 : memref<!tpu.dma_semaphore, #tpu.memory_space<semaphore_mem>>) src(%dma_wait3A_693 : memref<128x32xf32, #tpu.memory_space<vmem>>) dst(%dma_wait3A_689 : memref<128x32xf32, #tpu.memory_space<hbm>>)
          %dma_wait3A_694 = arith.constant 2 : i32
          %dma_wait3A_695 = arith.constant 0 : i32
          %dma_wait3A_696 = arith.constant 0 : i32
          %dma_wait3A_697 = tpu.memref_slice %arg9[%rem3A_594, %dma_wait3A_694, %dma_wait3A_695, %dma_wait3A_696] : memref<4x4x128x32xf32, #tpu.memory_space<vmem>> -> memref<1x1x128x32xf32, #tpu.memory_space<vmem>>
          %dma_wait3A_698 = tpu.memref_squeeze %dma_wait3A_697 : memref<1x1x128x32xf32, #tpu.memory_space<vmem>> -> memref<128x32xf32, #tpu.memory_space<vmem>>
          %dma_wait3A_699 = arith.constant 64 : i32
          %dma_wait3A_700 = tpu.memref_slice %arg7[%sub3A_659, %mul3A_2, %dma_wait3A_699] : memref<50x4096x128xf32, #tpu.memory_space<hbm>> -> memref<1x128x32xf32, #tpu.memory_space<hbm>>
          %dma_wait3A_701 = tpu.memref_squeeze %dma_wait3A_700 : memref<1x128x32xf32, #tpu.memory_space<hbm>> -> memref<128x32xf32, #tpu.memory_space<hbm>>
          %dma_wait3A_702 = tpu.memref_slice %arg11[%rem3A_594] : memref<4x!tpu.dma_semaphore, #tpu.memory_space<semaphore_mem>> -> memref<1x!tpu.dma_semaphore, #tpu.memory_space<semaphore_mem>>
          %dma_wait3A_703 = tpu.memref_squeeze %dma_wait3A_702 : memref<1x!tpu.dma_semaphore, #tpu.memory_space<semaphore_mem>> -> memref<!tpu.dma_semaphore, #tpu.memory_space<semaphore_mem>>
          %dma_wait3A_704 = arith.constant 64 : i32
          %dma_wait3A_705 = tpu.memref_slice %arg7[%sub3A_659, %mul3A_2, %dma_wait3A_704] : memref<50x4096x128xf32, #tpu.memory_space<hbm>> -> memref<1x128x32xf32, #tpu.memory_space<hbm>>
          %dma_wait3A_706 = tpu.memref_squeeze %dma_wait3A_705 : memref<1x128x32xf32, #tpu.memory_space<hbm>> -> memref<128x32xf32, #tpu.memory_space<hbm>>
          %dma_wait3A_707 = arith.constant 0 : i32
          %dma_wait3A_708 = arith.constant 0 : i32
          %dma_wait3A_709 = tpu.memref_slice %arg9[%rem3A_594, %dma_wait3A_694, %dma_wait3A_707, %dma_wait3A_708] : memref<4x4x128x32xf32, #tpu.memory_space<vmem>> -> memref<1x1x128x32xf32, #tpu.memory_space<vmem>>
          %dma_wait3A_710 = tpu.memref_squeeze %dma_wait3A_709 : memref<1x1x128x32xf32, #tpu.memory_space<vmem>> -> memref<128x32xf32, #tpu.memory_space<vmem>>
          tpu.wait_dma2 semaphore(%dma_wait3A_703 : memref<!tpu.dma_semaphore, #tpu.memory_space<semaphore_mem>>) src(%dma_wait3A_710 : memref<128x32xf32, #tpu.memory_space<vmem>>) dst(%dma_wait3A_706 : memref<128x32xf32, #tpu.memory_space<hbm>>)
          %dma_wait3A_711 = arith.constant 3 : i32
          %dma_wait3A_712 = arith.constant 0 : i32
          %dma_wait3A_713 = arith.constant 0 : i32
          %dma_wait3A_714 = tpu.memref_slice %arg9[%rem3A_594, %dma_wait3A_711, %dma_wait3A_712, %dma_wait3A_713] : memref<4x4x128x32xf32, #tpu.memory_space<vmem>> -> memref<1x1x128x32xf32, #tpu.memory_space<vmem>>
          %dma_wait3A_715 = tpu.memref_squeeze %dma_wait3A_714 : memref<1x1x128x32xf32, #tpu.memory_space<vmem>> -> memref<128x32xf32, #tpu.memory_space<vmem>>
          %dma_wait3A_716 = arith.constant 96 : i32
          %dma_wait3A_717 = tpu.memref_slice %arg7[%sub3A_659, %mul3A_2, %dma_wait3A_716] : memref<50x4096x128xf32, #tpu.memory_space<hbm>> -> memref<1x128x32xf32, #tpu.memory_space<hbm>>
          %dma_wait3A_718 = tpu.memref_squeeze %dma_wait3A_717 : memref<1x128x32xf32, #tpu.memory_space<hbm>> -> memref<128x32xf32, #tpu.memory_space<hbm>>
          %dma_wait3A_719 = tpu.memref_slice %arg11[%rem3A_594] : memref<4x!tpu.dma_semaphore, #tpu.memory_space<semaphore_mem>> -> memref<1x!tpu.dma_semaphore, #tpu.memory_space<semaphore_mem>>
          %dma_wait3A_720 = tpu.memref_squeeze %dma_wait3A_719 : memref<1x!tpu.dma_semaphore, #tpu.memory_space<semaphore_mem>> -> memref<!tpu.dma_semaphore, #tpu.memory_space<semaphore_mem>>
          %dma_wait3A_721 = arith.constant 96 : i32
          %dma_wait3A_722 = tpu.memref_slice %arg7[%sub3A_659, %mul3A_2, %dma_wait3A_721] : memref<50x4096x128xf32, #tpu.memory_space<hbm>> -> memref<1x128x32xf32, #tpu.memory_space<hbm>>
          %dma_wait3A_723 = tpu.memref_squeeze %dma_wait3A_722 : memref<1x128x32xf32, #tpu.memory_space<hbm>> -> memref<128x32xf32, #tpu.memory_space<hbm>>
          %dma_wait3A_724 = arith.constant 0 : i32
          %dma_wait3A_725 = arith.constant 0 : i32
          %dma_wait3A_726 = tpu.memref_slice %arg9[%rem3A_594, %dma_wait3A_711, %dma_wait3A_724, %dma_wait3A_725] : memref<4x4x128x32xf32, #tpu.memory_space<vmem>> -> memref<1x1x128x32xf32, #tpu.memory_space<vmem>>
          %dma_wait3A_727 = tpu.memref_squeeze %dma_wait3A_726 : memref<1x1x128x32xf32, #tpu.memory_space<vmem>> -> memref<128x32xf32, #tpu.memory_space<vmem>>
          tpu.wait_dma2 semaphore(%dma_wait3A_720 : memref<!tpu.dma_semaphore, #tpu.memory_space<semaphore_mem>>) src(%dma_wait3A_727 : memref<128x32xf32, #tpu.memory_space<vmem>>) dst(%dma_wait3A_723 : memref<128x32xf32, #tpu.memory_space<hbm>>)
        } else {
        }
        %add3A_600 = arith.constant 2 : i32
        %add3A_601 = arith.addi %scan3A_461, %add3A_600 : i32
        %dma_start3A_602 = arith.constant 0 : i32
        %dma_start3A_603 = arith.constant 0 : i32
        %dma_start3A_604 = arith.constant 0 : i32
        %dma_start3A_605 = arith.constant 0 : i32
        %dma_start3A_606 = tpu.memref_slice %arg9[%rem3A_594, %dma_start3A_603, %dma_start3A_604, %dma_start3A_605] : memref<4x4x128x32xf32, #tpu.memory_space<vmem>> -> memref<1x1x128x32xf32, #tpu.memory_space<vmem>>
        %dma_start3A_607 = tpu.memref_squeeze %dma_start3A_606 : memref<1x1x128x32xf32, #tpu.memory_space<vmem>> -> memref<128x32xf32, #tpu.memory_space<vmem>>
        %dma_start3A_608 = arith.constant 0 : i32
        %dma_start3A_609 = tpu.memref_slice %arg8[%add3A_601, %dma_start3A_602, %dma_start3A_608] : memref<50x4x128xi32, #tpu.memory_space<vmem>> -> memref<1x1x128xi32, #tpu.memory_space<vmem>>
        %dma_start3A_610 = tpu.memref_squeeze %dma_start3A_609 : memref<1x1x128xi32, #tpu.memory_space<vmem>> -> memref<128xi32, #tpu.memory_space<vmem>>
        %dma_start3A_611 = arith.constant 0 : i32
        %dma_start3A_612 = arith.constant 0 : i32
        %dma_start3A_613 = tpu.memref_slice %arg3[%dma_start3A_611, %dma_start3A_612] : memref<100000x32xf32, #tpu.memory_space<hbm>> -> memref<100000x32xf32, #tpu.memory_space<hbm>>
        %dma_start3A_614 = tpu.memref_slice %arg10[%rem3A_594] : memref<4x!tpu.dma_semaphore, #tpu.memory_space<semaphore_mem>> -> memref<1x!tpu.dma_semaphore, #tpu.memory_space<semaphore_mem>>
        %dma_start3A_615 = tpu.memref_squeeze %dma_start3A_614 : memref<1x!tpu.dma_semaphore, #tpu.memory_space<semaphore_mem>> -> memref<!tpu.dma_semaphore, #tpu.memory_space<semaphore_mem>>
        tpu.enqueue_indirect_dma source(%dma_start3A_613 : memref<100000x32xf32, #tpu.memory_space<hbm>>) target(%dma_start3A_607 : memref<128x32xf32, #tpu.memory_space<vmem>>) offsets(%dma_start3A_610 : memref<128xi32, #tpu.memory_space<vmem>>) semaphore(%dma_start3A_615 : memref<!tpu.dma_semaphore, #tpu.memory_space<semaphore_mem>>)
        %dma_start3A_616 = arith.constant 1 : i32
        %dma_start3A_617 = arith.constant 1 : i32
        %dma_start3A_618 = arith.constant 0 : i32
        %dma_start3A_619 = arith.constant 0 : i32
        %dma_start3A_620 = tpu.memref_slice %arg9[%rem3A_594, %dma_start3A_617, %dma_start3A_618, %dma_start3A_619] : memref<4x4x128x32xf32, #tpu.memory_space<vmem>> -> memref<1x1x128x32xf32, #tpu.memory_space<vmem>>
        %dma_start3A_621 = tpu.memref_squeeze %dma_start3A_620 : memref<1x1x128x32xf32, #tpu.memory_space<vmem>> -> memref<128x32xf32, #tpu.memory_space<vmem>>
        %dma_start3A_622 = arith.constant 0 : i32
        %dma_start3A_623 = tpu.memref_slice %arg8[%add3A_601, %dma_start3A_616, %dma_start3A_622] : memref<50x4x128xi32, #tpu.memory_space<vmem>> -> memref<1x1x128xi32, #tpu.memory_space<vmem>>
        %dma_start3A_624 = tpu.memref_squeeze %dma_start3A_623 : memref<1x1x128xi32, #tpu.memory_space<vmem>> -> memref<128xi32, #tpu.memory_space<vmem>>
        %dma_start3A_625 = arith.constant 0 : i32
        %dma_start3A_626 = arith.constant 0 : i32
        %dma_start3A_627 = tpu.memref_slice %arg4[%dma_start3A_625, %dma_start3A_626] : memref<100000x32xf32, #tpu.memory_space<hbm>> -> memref<100000x32xf32, #tpu.memory_space<hbm>>
        %dma_start3A_628 = tpu.memref_slice %arg10[%rem3A_594] : memref<4x!tpu.dma_semaphore, #tpu.memory_space<semaphore_mem>> -> memref<1x!tpu.dma_semaphore, #tpu.memory_space<semaphore_mem>>
        %dma_start3A_629 = tpu.memref_squeeze %dma_start3A_628 : memref<1x!tpu.dma_semaphore, #tpu.memory_space<semaphore_mem>> -> memref<!tpu.dma_semaphore, #tpu.memory_space<semaphore_mem>>
        tpu.enqueue_indirect_dma source(%dma_start3A_627 : memref<100000x32xf32, #tpu.memory_space<hbm>>) target(%dma_start3A_621 : memref<128x32xf32, #tpu.memory_space<vmem>>) offsets(%dma_start3A_624 : memref<128xi32, #tpu.memory_space<vmem>>) semaphore(%dma_start3A_629 : memref<!tpu.dma_semaphore, #tpu.memory_space<semaphore_mem>>)
        %dma_start3A_630 = arith.constant 2 : i32
        %dma_start3A_631 = arith.constant 2 : i32
        %dma_start3A_632 = arith.constant 0 : i32
        %dma_start3A_633 = arith.constant 0 : i32
        %dma_start3A_634 = tpu.memref_slice %arg9[%rem3A_594, %dma_start3A_631, %dma_start3A_632, %dma_start3A_633] : memref<4x4x128x32xf32, #tpu.memory_space<vmem>> -> memref<1x1x128x32xf32, #tpu.memory_space<vmem>>
        %dma_start3A_635 = tpu.memref_squeeze %dma_start3A_634 : memref<1x1x128x32xf32, #tpu.memory_space<vmem>> -> memref<128x32xf32, #tpu.memory_space<vmem>>
        %dma_start3A_636 = arith.constant 0 : i32
        %dma_start3A_637 = tpu.memref_slice %arg8[%add3A_601, %dma_start3A_630, %dma_start3A_636] : memref<50x4x128xi32, #tpu.memory_space<vmem>> -> memref<1x1x128xi32, #tpu.memory_space<vmem>>
        %dma_start3A_638 = tpu.memref_squeeze %dma_start3A_637 : memref<1x1x128xi32, #tpu.memory_space<vmem>> -> memref<128xi32, #tpu.memory_space<vmem>>
        %dma_start3A_639 = arith.constant 0 : i32
        %dma_start3A_640 = arith.constant 0 : i32
        %dma_start3A_641 = tpu.memref_slice %arg5[%dma_start3A_639, %dma_start3A_640] : memref<100000x32xf32, #tpu.memory_space<hbm>> -> memref<100000x32xf32, #tpu.memory_space<hbm>>
        %dma_start3A_642 = tpu.memref_slice %arg10[%rem3A_594] : memref<4x!tpu.dma_semaphore, #tpu.memory_space<semaphore_mem>> -> memref<1x!tpu.dma_semaphore, #tpu.memory_space<semaphore_mem>>
        %dma_start3A_643 = tpu.memref_squeeze %dma_start3A_642 : memref<1x!tpu.dma_semaphore, #tpu.memory_space<semaphore_mem>> -> memref<!tpu.dma_semaphore, #tpu.memory_space<semaphore_mem>>
        tpu.enqueue_indirect_dma source(%dma_start3A_641 : memref<100000x32xf32, #tpu.memory_space<hbm>>) target(%dma_start3A_635 : memref<128x32xf32, #tpu.memory_space<vmem>>) offsets(%dma_start3A_638 : memref<128xi32, #tpu.memory_space<vmem>>) semaphore(%dma_start3A_643 : memref<!tpu.dma_semaphore, #tpu.memory_space<semaphore_mem>>)
        %dma_start3A_644 = arith.constant 3 : i32
        %dma_start3A_645 = arith.constant 3 : i32
        %dma_start3A_646 = arith.constant 0 : i32
        %dma_start3A_647 = arith.constant 0 : i32
        %dma_start3A_648 = tpu.memref_slice %arg9[%rem3A_594, %dma_start3A_645, %dma_start3A_646, %dma_start3A_647] : memref<4x4x128x32xf32, #tpu.memory_space<vmem>> -> memref<1x1x128x32xf32, #tpu.memory_space<vmem>>
        %dma_start3A_649 = tpu.memref_squeeze %dma_start3A_648 : memref<1x1x128x32xf32, #tpu.memory_space<vmem>> -> memref<128x32xf32, #tpu.memory_space<vmem>>
        %dma_start3A_650 = arith.constant 0 : i32
        %dma_start3A_651 = tpu.memref_slice %arg8[%add3A_601, %dma_start3A_644, %dma_start3A_650] : memref<50x4x128xi32, #tpu.memory_space<vmem>> -> memref<1x1x128xi32, #tpu.memory_space<vmem>>
        %dma_start3A_652 = tpu.memref_squeeze %dma_start3A_651 : memref<1x1x128xi32, #tpu.memory_space<vmem>> -> memref<128xi32, #tpu.memory_space<vmem>>
        %dma_start3A_653 = arith.constant 0 : i32
        %dma_start3A_654 = arith.constant 0 : i32
        %dma_start3A_655 = tpu.memref_slice %arg6[%dma_start3A_653, %dma_start3A_654] : memref<100000x32xf32, #tpu.memory_space<hbm>> -> memref<100000x32xf32, #tpu.memory_space<hbm>>
        %dma_start3A_656 = tpu.memref_slice %arg10[%rem3A_594] : memref<4x!tpu.dma_semaphore, #tpu.memory_space<semaphore_mem>> -> memref<1x!tpu.dma_semaphore, #tpu.memory_space<semaphore_mem>>
        %dma_start3A_657 = tpu.memref_squeeze %dma_start3A_656 : memref<1x!tpu.dma_semaphore, #tpu.memory_space<semaphore_mem>> -> memref<!tpu.dma_semaphore, #tpu.memory_space<semaphore_mem>>
        tpu.enqueue_indirect_dma source(%dma_start3A_655 : memref<100000x32xf32, #tpu.memory_space<hbm>>) target(%dma_start3A_649 : memref<128x32xf32, #tpu.memory_space<vmem>>) offsets(%dma_start3A_652 : memref<128xi32, #tpu.memory_space<vmem>>) semaphore(%dma_start3A_657 : memref<!tpu.dma_semaphore, #tpu.memory_space<semaphore_mem>>)
      } else {
      }
      %dma_wait3A_467 = arith.constant 0 : i32
      %dma_wait3A_468 = arith.constant 0 : i32
      %dma_wait3A_469 = arith.constant 0 : i32
      %dma_wait3A_470 = arith.constant 0 : i32
      %dma_wait3A_471 = tpu.memref_slice %arg9[%rem3A_462, %dma_wait3A_468, %dma_wait3A_469, %dma_wait3A_470] : memref<4x4x128x32xf32, #tpu.memory_space<vmem>> -> memref<1x1x128x32xf32, #tpu.memory_space<vmem>>
      %dma_wait3A_472 = tpu.memref_squeeze %dma_wait3A_471 : memref<1x1x128x32xf32, #tpu.memory_space<vmem>> -> memref<128x32xf32, #tpu.memory_space<vmem>>
      %dma_wait3A_473 = arith.constant 0 : i32
      %dma_wait3A_474 = tpu.memref_slice %arg8[%scan3A_461, %dma_wait3A_467, %dma_wait3A_473] : memref<50x4x128xi32, #tpu.memory_space<vmem>> -> memref<1x1x128xi32, #tpu.memory_space<vmem>>
      %dma_wait3A_475 = tpu.memref_squeeze %dma_wait3A_474 : memref<1x1x128xi32, #tpu.memory_space<vmem>> -> memref<128xi32, #tpu.memory_space<vmem>>
      %dma_wait3A_476 = arith.constant 0 : i32
      %dma_wait3A_477 = arith.constant 0 : i32
      %dma_wait3A_478 = tpu.memref_slice %arg3[%dma_wait3A_476, %dma_wait3A_477] : memref<100000x32xf32, #tpu.memory_space<hbm>> -> memref<100000x32xf32, #tpu.memory_space<hbm>>
      %dma_wait3A_479 = tpu.memref_slice %arg10[%rem3A_462] : memref<4x!tpu.dma_semaphore, #tpu.memory_space<semaphore_mem>> -> memref<1x!tpu.dma_semaphore, #tpu.memory_space<semaphore_mem>>
      %dma_wait3A_480 = tpu.memref_squeeze %dma_wait3A_479 : memref<1x!tpu.dma_semaphore, #tpu.memory_space<semaphore_mem>> -> memref<!tpu.dma_semaphore, #tpu.memory_space<semaphore_mem>>
      tpu.wait_indirect_dma semaphore(%dma_wait3A_480 : memref<!tpu.dma_semaphore, #tpu.memory_space<semaphore_mem>>) src(%dma_wait3A_478 : memref<100000x32xf32, #tpu.memory_space<hbm>>) dst(%dma_wait3A_472 : memref<128x32xf32, #tpu.memory_space<vmem>>)
      %dma_wait3A_481 = arith.constant 1 : i32
      %dma_wait3A_482 = arith.constant 1 : i32
      %dma_wait3A_483 = arith.constant 0 : i32
      %dma_wait3A_484 = arith.constant 0 : i32
      %dma_wait3A_485 = tpu.memref_slice %arg9[%rem3A_462, %dma_wait3A_482, %dma_wait3A_483, %dma_wait3A_484] : memref<4x4x128x32xf32, #tpu.memory_space<vmem>> -> memref<1x1x128x32xf32, #tpu.memory_space<vmem>>
      %dma_wait3A_486 = tpu.memref_squeeze %dma_wait3A_485 : memref<1x1x128x32xf32, #tpu.memory_space<vmem>> -> memref<128x32xf32, #tpu.memory_space<vmem>>
      %dma_wait3A_487 = arith.constant 0 : i32
      %dma_wait3A_488 = tpu.memref_slice %arg8[%scan3A_461, %dma_wait3A_481, %dma_wait3A_487] : memref<50x4x128xi32, #tpu.memory_space<vmem>> -> memref<1x1x128xi32, #tpu.memory_space<vmem>>
      %dma_wait3A_489 = tpu.memref_squeeze %dma_wait3A_488 : memref<1x1x128xi32, #tpu.memory_space<vmem>> -> memref<128xi32, #tpu.memory_space<vmem>>
      %dma_wait3A_490 = arith.constant 0 : i32
      %dma_wait3A_491 = arith.constant 0 : i32
      %dma_wait3A_492 = tpu.memref_slice %arg4[%dma_wait3A_490, %dma_wait3A_491] : memref<100000x32xf32, #tpu.memory_space<hbm>> -> memref<100000x32xf32, #tpu.memory_space<hbm>>
      %dma_wait3A_493 = tpu.memref_slice %arg10[%rem3A_462] : memref<4x!tpu.dma_semaphore, #tpu.memory_space<semaphore_mem>> -> memref<1x!tpu.dma_semaphore, #tpu.memory_space<semaphore_mem>>
      %dma_wait3A_494 = tpu.memref_squeeze %dma_wait3A_493 : memref<1x!tpu.dma_semaphore, #tpu.memory_space<semaphore_mem>> -> memref<!tpu.dma_semaphore, #tpu.memory_space<semaphore_mem>>
      tpu.wait_indirect_dma semaphore(%dma_wait3A_494 : memref<!tpu.dma_semaphore, #tpu.memory_space<semaphore_mem>>) src(%dma_wait3A_492 : memref<100000x32xf32, #tpu.memory_space<hbm>>) dst(%dma_wait3A_486 : memref<128x32xf32, #tpu.memory_space<vmem>>)
      %dma_wait3A_495 = arith.constant 2 : i32
      %dma_wait3A_496 = arith.constant 2 : i32
      %dma_wait3A_497 = arith.constant 0 : i32
      %dma_wait3A_498 = arith.constant 0 : i32
      %dma_wait3A_499 = tpu.memref_slice %arg9[%rem3A_462, %dma_wait3A_496, %dma_wait3A_497, %dma_wait3A_498] : memref<4x4x128x32xf32, #tpu.memory_space<vmem>> -> memref<1x1x128x32xf32, #tpu.memory_space<vmem>>
      %dma_wait3A_500 = tpu.memref_squeeze %dma_wait3A_499 : memref<1x1x128x32xf32, #tpu.memory_space<vmem>> -> memref<128x32xf32, #tpu.memory_space<vmem>>
      %dma_wait3A_501 = arith.constant 0 : i32
      %dma_wait3A_502 = tpu.memref_slice %arg8[%scan3A_461, %dma_wait3A_495, %dma_wait3A_501] : memref<50x4x128xi32, #tpu.memory_space<vmem>> -> memref<1x1x128xi32, #tpu.memory_space<vmem>>
      %dma_wait3A_503 = tpu.memref_squeeze %dma_wait3A_502 : memref<1x1x128xi32, #tpu.memory_space<vmem>> -> memref<128xi32, #tpu.memory_space<vmem>>
      %dma_wait3A_504 = arith.constant 0 : i32
      %dma_wait3A_505 = arith.constant 0 : i32
      %dma_wait3A_506 = tpu.memref_slice %arg5[%dma_wait3A_504, %dma_wait3A_505] : memref<100000x32xf32, #tpu.memory_space<hbm>> -> memref<100000x32xf32, #tpu.memory_space<hbm>>
      %dma_wait3A_507 = tpu.memref_slice %arg10[%rem3A_462] : memref<4x!tpu.dma_semaphore, #tpu.memory_space<semaphore_mem>> -> memref<1x!tpu.dma_semaphore, #tpu.memory_space<semaphore_mem>>
      %dma_wait3A_508 = tpu.memref_squeeze %dma_wait3A_507 : memref<1x!tpu.dma_semaphore, #tpu.memory_space<semaphore_mem>> -> memref<!tpu.dma_semaphore, #tpu.memory_space<semaphore_mem>>
      tpu.wait_indirect_dma semaphore(%dma_wait3A_508 : memref<!tpu.dma_semaphore, #tpu.memory_space<semaphore_mem>>) src(%dma_wait3A_506 : memref<100000x32xf32, #tpu.memory_space<hbm>>) dst(%dma_wait3A_500 : memref<128x32xf32, #tpu.memory_space<vmem>>)
      %dma_wait3A_509 = arith.constant 3 : i32
      %dma_wait3A_510 = arith.constant 3 : i32
      %dma_wait3A_511 = arith.constant 0 : i32
      %dma_wait3A_512 = arith.constant 0 : i32
      %dma_wait3A_513 = tpu.memref_slice %arg9[%rem3A_462, %dma_wait3A_510, %dma_wait3A_511, %dma_wait3A_512] : memref<4x4x128x32xf32, #tpu.memory_space<vmem>> -> memref<1x1x128x32xf32, #tpu.memory_space<vmem>>
      %dma_wait3A_514 = tpu.memref_squeeze %dma_wait3A_513 : memref<1x1x128x32xf32, #tpu.memory_space<vmem>> -> memref<128x32xf32, #tpu.memory_space<vmem>>
      %dma_wait3A_515 = arith.constant 0 : i32
      %dma_wait3A_516 = tpu.memref_slice %arg8[%scan3A_461, %dma_wait3A_509, %dma_wait3A_515] : memref<50x4x128xi32, #tpu.memory_space<vmem>> -> memref<1x1x128xi32, #tpu.memory_space<vmem>>
      %dma_wait3A_517 = tpu.memref_squeeze %dma_wait3A_516 : memref<1x1x128xi32, #tpu.memory_space<vmem>> -> memref<128xi32, #tpu.memory_space<vmem>>
      %dma_wait3A_518 = arith.constant 0 : i32
      %dma_wait3A_519 = arith.constant 0 : i32
      %dma_wait3A_520 = tpu.memref_slice %arg6[%dma_wait3A_518, %dma_wait3A_519] : memref<100000x32xf32, #tpu.memory_space<hbm>> -> memref<100000x32xf32, #tpu.memory_space<hbm>>
      %dma_wait3A_521 = tpu.memref_slice %arg10[%rem3A_462] : memref<4x!tpu.dma_semaphore, #tpu.memory_space<semaphore_mem>> -> memref<1x!tpu.dma_semaphore, #tpu.memory_space<semaphore_mem>>
      %dma_wait3A_522 = tpu.memref_squeeze %dma_wait3A_521 : memref<1x!tpu.dma_semaphore, #tpu.memory_space<semaphore_mem>> -> memref<!tpu.dma_semaphore, #tpu.memory_space<semaphore_mem>>
      tpu.wait_indirect_dma semaphore(%dma_wait3A_522 : memref<!tpu.dma_semaphore, #tpu.memory_space<semaphore_mem>>) src(%dma_wait3A_520 : memref<100000x32xf32, #tpu.memory_space<hbm>>) dst(%dma_wait3A_514 : memref<128x32xf32, #tpu.memory_space<vmem>>)
      %dma_start3A_523 = arith.constant 0 : i32
      %dma_start3A_524 = arith.constant 0 : i32
      %dma_start3A_525 = arith.constant 0 : i32
      %dma_start3A_526 = tpu.memref_slice %arg9[%rem3A_462, %dma_start3A_523, %dma_start3A_524, %dma_start3A_525] : memref<4x4x128x32xf32, #tpu.memory_space<vmem>> -> memref<1x1x128x32xf32, #tpu.memory_space<vmem>>
      %dma_start3A_527 = tpu.memref_squeeze %dma_start3A_526 : memref<1x1x128x32xf32, #tpu.memory_space<vmem>> -> memref<128x32xf32, #tpu.memory_space<vmem>>
      %dma_start3A_528 = arith.constant 0 : i32
      %dma_start3A_529 = tpu.memref_slice %arg7[%scan3A_461, %mul3A_2, %dma_start3A_528] : memref<50x4096x128xf32, #tpu.memory_space<hbm>> -> memref<1x128x32xf32, #tpu.memory_space<hbm>>
      %dma_start3A_530 = tpu.memref_squeeze %dma_start3A_529 : memref<1x128x32xf32, #tpu.memory_space<hbm>> -> memref<128x32xf32, #tpu.memory_space<hbm>>
      %dma_start3A_531 = tpu.memref_slice %arg11[%rem3A_462] : memref<4x!tpu.dma_semaphore, #tpu.memory_space<semaphore_mem>> -> memref<1x!tpu.dma_semaphore, #tpu.memory_space<semaphore_mem>>
      %dma_start3A_532 = tpu.memref_squeeze %dma_start3A_531 : memref<1x!tpu.dma_semaphore, #tpu.memory_space<semaphore_mem>> -> memref<!tpu.dma_semaphore, #tpu.memory_space<semaphore_mem>>
      %dma_start3A_533 = arith.constant 0 : i32
      %dma_start3A_534 = tpu.memref_slice %arg7[%scan3A_461, %mul3A_2, %dma_start3A_533] : memref<50x4096x128xf32, #tpu.memory_space<hbm>> -> memref<1x128x32xf32, #tpu.memory_space<hbm>>
      %dma_start3A_535 = tpu.memref_squeeze %dma_start3A_534 : memref<1x128x32xf32, #tpu.memory_space<hbm>> -> memref<128x32xf32, #tpu.memory_space<hbm>>
      %dma_start3A_536 = arith.constant 0 : i32
      %dma_start3A_537 = arith.constant 0 : i32
      %dma_start3A_538 = tpu.memref_slice %arg9[%rem3A_462, %dma_start3A_523, %dma_start3A_536, %dma_start3A_537] : memref<4x4x128x32xf32, #tpu.memory_space<vmem>> -> memref<1x1x128x32xf32, #tpu.memory_space<vmem>>
      %dma_start3A_539 = tpu.memref_squeeze %dma_start3A_538 : memref<1x1x128x32xf32, #tpu.memory_space<vmem>> -> memref<128x32xf32, #tpu.memory_space<vmem>>
      tpu.enqueue_dma source(%dma_start3A_539 : memref<128x32xf32, #tpu.memory_space<vmem>>) target(%dma_start3A_535 : memref<128x32xf32, #tpu.memory_space<hbm>>) target_semaphore(%dma_start3A_532 : memref<!tpu.dma_semaphore, #tpu.memory_space<semaphore_mem>>)
      %dma_start3A_540 = arith.constant 1 : i32
      %dma_start3A_541 = arith.constant 0 : i32
      %dma_start3A_542 = arith.constant 0 : i32
      %dma_start3A_543 = tpu.memref_slice %arg9[%rem3A_462, %dma_start3A_540, %dma_start3A_541, %dma_start3A_542] : memref<4x4x128x32xf32, #tpu.memory_space<vmem>> -> memref<1x1x128x32xf32, #tpu.memory_space<vmem>>
      %dma_start3A_544 = tpu.memref_squeeze %dma_start3A_543 : memref<1x1x128x32xf32, #tpu.memory_space<vmem>> -> memref<128x32xf32, #tpu.memory_space<vmem>>
      %dma_start3A_545 = arith.constant 32 : i32
      %dma_start3A_546 = tpu.memref_slice %arg7[%scan3A_461, %mul3A_2, %dma_start3A_545] : memref<50x4096x128xf32, #tpu.memory_space<hbm>> -> memref<1x128x32xf32, #tpu.memory_space<hbm>>
      %dma_start3A_547 = tpu.memref_squeeze %dma_start3A_546 : memref<1x128x32xf32, #tpu.memory_space<hbm>> -> memref<128x32xf32, #tpu.memory_space<hbm>>
      %dma_start3A_548 = tpu.memref_slice %arg11[%rem3A_462] : memref<4x!tpu.dma_semaphore, #tpu.memory_space<semaphore_mem>> -> memref<1x!tpu.dma_semaphore, #tpu.memory_space<semaphore_mem>>
      %dma_start3A_549 = tpu.memref_squeeze %dma_start3A_548 : memref<1x!tpu.dma_semaphore, #tpu.memory_space<semaphore_mem>> -> memref<!tpu.dma_semaphore, #tpu.memory_space<semaphore_mem>>
      %dma_start3A_550 = arith.constant 32 : i32
      %dma_start3A_551 = tpu.memref_slice %arg7[%scan3A_461, %mul3A_2, %dma_start3A_550] : memref<50x4096x128xf32, #tpu.memory_space<hbm>> -> memref<1x128x32xf32, #tpu.memory_space<hbm>>
      %dma_start3A_552 = tpu.memref_squeeze %dma_start3A_551 : memref<1x128x32xf32, #tpu.memory_space<hbm>> -> memref<128x32xf32, #tpu.memory_space<hbm>>
      %dma_start3A_553 = arith.constant 0 : i32
      %dma_start3A_554 = arith.constant 0 : i32
      %dma_start3A_555 = tpu.memref_slice %arg9[%rem3A_462, %dma_start3A_540, %dma_start3A_553, %dma_start3A_554] : memref<4x4x128x32xf32, #tpu.memory_space<vmem>> -> memref<1x1x128x32xf32, #tpu.memory_space<vmem>>
      %dma_start3A_556 = tpu.memref_squeeze %dma_start3A_555 : memref<1x1x128x32xf32, #tpu.memory_space<vmem>> -> memref<128x32xf32, #tpu.memory_space<vmem>>
      tpu.enqueue_dma source(%dma_start3A_556 : memref<128x32xf32, #tpu.memory_space<vmem>>) target(%dma_start3A_552 : memref<128x32xf32, #tpu.memory_space<hbm>>) target_semaphore(%dma_start3A_549 : memref<!tpu.dma_semaphore, #tpu.memory_space<semaphore_mem>>)
      %dma_start3A_557 = arith.constant 2 : i32
      %dma_start3A_558 = arith.constant 0 : i32
      %dma_start3A_559 = arith.constant 0 : i32
      %dma_start3A_560 = tpu.memref_slice %arg9[%rem3A_462, %dma_start3A_557, %dma_start3A_558, %dma_start3A_559] : memref<4x4x128x32xf32, #tpu.memory_space<vmem>> -> memref<1x1x128x32xf32, #tpu.memory_space<vmem>>
      %dma_start3A_561 = tpu.memref_squeeze %dma_start3A_560 : memref<1x1x128x32xf32, #tpu.memory_space<vmem>> -> memref<128x32xf32, #tpu.memory_space<vmem>>
      %dma_start3A_562 = arith.constant 64 : i32
      %dma_start3A_563 = tpu.memref_slice %arg7[%scan3A_461, %mul3A_2, %dma_start3A_562] : memref<50x4096x128xf32, #tpu.memory_space<hbm>> -> memref<1x128x32xf32, #tpu.memory_space<hbm>>
      %dma_start3A_564 = tpu.memref_squeeze %dma_start3A_563 : memref<1x128x32xf32, #tpu.memory_space<hbm>> -> memref<128x32xf32, #tpu.memory_space<hbm>>
      %dma_start3A_565 = tpu.memref_slice %arg11[%rem3A_462] : memref<4x!tpu.dma_semaphore, #tpu.memory_space<semaphore_mem>> -> memref<1x!tpu.dma_semaphore, #tpu.memory_space<semaphore_mem>>
      %dma_start3A_566 = tpu.memref_squeeze %dma_start3A_565 : memref<1x!tpu.dma_semaphore, #tpu.memory_space<semaphore_mem>> -> memref<!tpu.dma_semaphore, #tpu.memory_space<semaphore_mem>>
      %dma_start3A_567 = arith.constant 64 : i32
      %dma_start3A_568 = tpu.memref_slice %arg7[%scan3A_461, %mul3A_2, %dma_start3A_567] : memref<50x4096x128xf32, #tpu.memory_space<hbm>> -> memref<1x128x32xf32, #tpu.memory_space<hbm>>
      %dma_start3A_569 = tpu.memref_squeeze %dma_start3A_568 : memref<1x128x32xf32, #tpu.memory_space<hbm>> -> memref<128x32xf32, #tpu.memory_space<hbm>>
      %dma_start3A_570 = arith.constant 0 : i32
      %dma_start3A_571 = arith.constant 0 : i32
      %dma_start3A_572 = tpu.memref_slice %arg9[%rem3A_462, %dma_start3A_557, %dma_start3A_570, %dma_start3A_571] : memref<4x4x128x32xf32, #tpu.memory_space<vmem>> -> memref<1x1x128x32xf32, #tpu.memory_space<vmem>>
      %dma_start3A_573 = tpu.memref_squeeze %dma_start3A_572 : memref<1x1x128x32xf32, #tpu.memory_space<vmem>> -> memref<128x32xf32, #tpu.memory_space<vmem>>
      tpu.enqueue_dma source(%dma_start3A_573 : memref<128x32xf32, #tpu.memory_space<vmem>>) target(%dma_start3A_569 : memref<128x32xf32, #tpu.memory_space<hbm>>) target_semaphore(%dma_start3A_566 : memref<!tpu.dma_semaphore, #tpu.memory_space<semaphore_mem>>)
      %dma_start3A_574 = arith.constant 3 : i32
      %dma_start3A_575 = arith.constant 0 : i32
      %dma_start3A_576 = arith.constant 0 : i32
      %dma_start3A_577 = tpu.memref_slice %arg9[%rem3A_462, %dma_start3A_574, %dma_start3A_575, %dma_start3A_576] : memref<4x4x128x32xf32, #tpu.memory_space<vmem>> -> memref<1x1x128x32xf32, #tpu.memory_space<vmem>>
      %dma_start3A_578 = tpu.memref_squeeze %dma_start3A_577 : memref<1x1x128x32xf32, #tpu.memory_space<vmem>> -> memref<128x32xf32, #tpu.memory_space<vmem>>
      %dma_start3A_579 = arith.constant 96 : i32
      %dma_start3A_580 = tpu.memref_slice %arg7[%scan3A_461, %mul3A_2, %dma_start3A_579] : memref<50x4096x128xf32, #tpu.memory_space<hbm>> -> memref<1x128x32xf32, #tpu.memory_space<hbm>>
      %dma_start3A_581 = tpu.memref_squeeze %dma_start3A_580 : memref<1x128x32xf32, #tpu.memory_space<hbm>> -> memref<128x32xf32, #tpu.memory_space<hbm>>
      %dma_start3A_582 = tpu.memref_slice %arg11[%rem3A_462] : memref<4x!tpu.dma_semaphore, #tpu.memory_space<semaphore_mem>> -> memref<1x!tpu.dma_semaphore, #tpu.memory_space<semaphore_mem>>
      %dma_start3A_583 = tpu.memref_squeeze %dma_start3A_582 : memref<1x!tpu.dma_semaphore, #tpu.memory_space<semaphore_mem>> -> memref<!tpu.dma_semaphore, #tpu.memory_space<semaphore_mem>>
      %dma_start3A_584 = arith.constant 96 : i32
      %dma_start3A_585 = tpu.memref_slice %arg7[%scan3A_461, %mul3A_2, %dma_start3A_584] : memref<50x4096x128xf32, #tpu.memory_space<hbm>> -> memref<1x128x32xf32, #tpu.memory_space<hbm>>
      %dma_start3A_586 = tpu.memref_squeeze %dma_start3A_585 : memref<1x128x32xf32, #tpu.memory_space<hbm>> -> memref<128x32xf32, #tpu.memory_space<hbm>>
      %dma_start3A_587 = arith.constant 0 : i32
      %dma_start3A_588 = arith.constant 0 : i32
      %dma_start3A_589 = tpu.memref_slice %arg9[%rem3A_462, %dma_start3A_574, %dma_start3A_587, %dma_start3A_588] : memref<4x4x128x32xf32, #tpu.memory_space<vmem>> -> memref<1x1x128x32xf32, #tpu.memory_space<vmem>>
      %dma_start3A_590 = tpu.memref_squeeze %dma_start3A_589 : memref<1x1x128x32xf32, #tpu.memory_space<vmem>> -> memref<128x32xf32, #tpu.memory_space<vmem>>
      tpu.enqueue_dma source(%dma_start3A_590 : memref<128x32xf32, #tpu.memory_space<vmem>>) target(%dma_start3A_586 : memref<128x32xf32, #tpu.memory_space<hbm>>) target_semaphore(%dma_start3A_583 : memref<!tpu.dma_semaphore, #tpu.memory_space<semaphore_mem>>)
    }
    %scan3A_141 = arith.constant 50 : i32
    %dma_wait3A = arith.constant 2 : i32
    %dma_wait3A_142 = arith.constant 0 : i32
    %dma_wait3A_143 = arith.constant 46 : i32
    %dma_wait3A_144 = arith.constant 2 : i32
    %dma_wait3A_145 = arith.constant 0 : i32
    %dma_wait3A_146 = arith.constant 0 : i32
    %dma_wait3A_147 = tpu.memref_slice %arg9[%dma_wait3A, %dma_wait3A_142, %dma_wait3A_145, %dma_wait3A_146] : memref<4x4x128x32xf32, #tpu.memory_space<vmem>> -> memref<1x1x128x32xf32, #tpu.memory_space<vmem>>
    %dma_wait3A_148 = tpu.memref_squeeze %dma_wait3A_147 : memref<1x1x128x32xf32, #tpu.memory_space<vmem>> -> memref<128x32xf32, #tpu.memory_space<vmem>>
    %dma_wait3A_149 = arith.constant 0 : i32
    %dma_wait3A_150 = tpu.memref_slice %arg7[%dma_wait3A_143, %mul3A_2, %dma_wait3A_149] : memref<50x4096x128xf32, #tpu.memory_space<hbm>> -> memref<1x128x32xf32, #tpu.memory_space<hbm>>
    %dma_wait3A_151 = tpu.memref_squeeze %dma_wait3A_150 : memref<1x128x32xf32, #tpu.memory_space<hbm>> -> memref<128x32xf32, #tpu.memory_space<hbm>>
    %dma_wait3A_152 = tpu.memref_slice %arg11[%dma_wait3A_144] : memref<4x!tpu.dma_semaphore, #tpu.memory_space<semaphore_mem>> -> memref<1x!tpu.dma_semaphore, #tpu.memory_space<semaphore_mem>>
    %dma_wait3A_153 = tpu.memref_squeeze %dma_wait3A_152 : memref<1x!tpu.dma_semaphore, #tpu.memory_space<semaphore_mem>> -> memref<!tpu.dma_semaphore, #tpu.memory_space<semaphore_mem>>
    %dma_wait3A_154 = arith.constant 0 : i32
    %dma_wait3A_155 = tpu.memref_slice %arg7[%dma_wait3A_143, %mul3A_2, %dma_wait3A_154] : memref<50x4096x128xf32, #tpu.memory_space<hbm>> -> memref<1x128x32xf32, #tpu.memory_space<hbm>>
    %dma_wait3A_156 = tpu.memref_squeeze %dma_wait3A_155 : memref<1x128x32xf32, #tpu.memory_space<hbm>> -> memref<128x32xf32, #tpu.memory_space<hbm>>
    %dma_wait3A_157 = arith.constant 0 : i32
    %dma_wait3A_158 = arith.constant 0 : i32
    %dma_wait3A_159 = tpu.memref_slice %arg9[%dma_wait3A, %dma_wait3A_142, %dma_wait3A_157, %dma_wait3A_158] : memref<4x4x128x32xf32, #tpu.memory_space<vmem>> -> memref<1x1x128x32xf32, #tpu.memory_space<vmem>>
    %dma_wait3A_160 = tpu.memref_squeeze %dma_wait3A_159 : memref<1x1x128x32xf32, #tpu.memory_space<vmem>> -> memref<128x32xf32, #tpu.memory_space<vmem>>
    tpu.wait_dma2 semaphore(%dma_wait3A_153 : memref<!tpu.dma_semaphore, #tpu.memory_space<semaphore_mem>>) src(%dma_wait3A_160 : memref<128x32xf32, #tpu.memory_space<vmem>>) dst(%dma_wait3A_156 : memref<128x32xf32, #tpu.memory_space<hbm>>)
    %dma_wait3A_161 = arith.constant 2 : i32
    %dma_wait3A_162 = arith.constant 1 : i32
    %dma_wait3A_163 = arith.constant 46 : i32
    %dma_wait3A_164 = arith.constant 2 : i32
    %dma_wait3A_165 = arith.constant 0 : i32
    %dma_wait3A_166 = arith.constant 0 : i32
    %dma_wait3A_167 = tpu.memref_slice %arg9[%dma_wait3A_161, %dma_wait3A_162, %dma_wait3A_165, %dma_wait3A_166] : memref<4x4x128x32xf32, #tpu.memory_space<vmem>> -> memref<1x1x128x32xf32, #tpu.memory_space<vmem>>
    %dma_wait3A_168 = tpu.memref_squeeze %dma_wait3A_167 : memref<1x1x128x32xf32, #tpu.memory_space<vmem>> -> memref<128x32xf32, #tpu.memory_space<vmem>>
    %dma_wait3A_169 = arith.constant 32 : i32
    %dma_wait3A_170 = tpu.memref_slice %arg7[%dma_wait3A_163, %mul3A_2, %dma_wait3A_169] : memref<50x4096x128xf32, #tpu.memory_space<hbm>> -> memref<1x128x32xf32, #tpu.memory_space<hbm>>
    %dma_wait3A_171 = tpu.memref_squeeze %dma_wait3A_170 : memref<1x128x32xf32, #tpu.memory_space<hbm>> -> memref<128x32xf32, #tpu.memory_space<hbm>>
    %dma_wait3A_172 = tpu.memref_slice %arg11[%dma_wait3A_164] : memref<4x!tpu.dma_semaphore, #tpu.memory_space<semaphore_mem>> -> memref<1x!tpu.dma_semaphore, #tpu.memory_space<semaphore_mem>>
    %dma_wait3A_173 = tpu.memref_squeeze %dma_wait3A_172 : memref<1x!tpu.dma_semaphore, #tpu.memory_space<semaphore_mem>> -> memref<!tpu.dma_semaphore, #tpu.memory_space<semaphore_mem>>
    %dma_wait3A_174 = arith.constant 32 : i32
    %dma_wait3A_175 = tpu.memref_slice %arg7[%dma_wait3A_163, %mul3A_2, %dma_wait3A_174] : memref<50x4096x128xf32, #tpu.memory_space<hbm>> -> memref<1x128x32xf32, #tpu.memory_space<hbm>>
    %dma_wait3A_176 = tpu.memref_squeeze %dma_wait3A_175 : memref<1x128x32xf32, #tpu.memory_space<hbm>> -> memref<128x32xf32, #tpu.memory_space<hbm>>
    %dma_wait3A_177 = arith.constant 0 : i32
    %dma_wait3A_178 = arith.constant 0 : i32
    %dma_wait3A_179 = tpu.memref_slice %arg9[%dma_wait3A_161, %dma_wait3A_162, %dma_wait3A_177, %dma_wait3A_178] : memref<4x4x128x32xf32, #tpu.memory_space<vmem>> -> memref<1x1x128x32xf32, #tpu.memory_space<vmem>>
    %dma_wait3A_180 = tpu.memref_squeeze %dma_wait3A_179 : memref<1x1x128x32xf32, #tpu.memory_space<vmem>> -> memref<128x32xf32, #tpu.memory_space<vmem>>
    tpu.wait_dma2 semaphore(%dma_wait3A_173 : memref<!tpu.dma_semaphore, #tpu.memory_space<semaphore_mem>>) src(%dma_wait3A_180 : memref<128x32xf32, #tpu.memory_space<vmem>>) dst(%dma_wait3A_176 : memref<128x32xf32, #tpu.memory_space<hbm>>)
    %dma_wait3A_181 = arith.constant 2 : i32
    %dma_wait3A_182 = arith.constant 2 : i32
    %dma_wait3A_183 = arith.constant 46 : i32
    %dma_wait3A_184 = arith.constant 2 : i32
    %dma_wait3A_185 = arith.constant 0 : i32
    %dma_wait3A_186 = arith.constant 0 : i32
    %dma_wait3A_187 = tpu.memref_slice %arg9[%dma_wait3A_181, %dma_wait3A_182, %dma_wait3A_185, %dma_wait3A_186] : memref<4x4x128x32xf32, #tpu.memory_space<vmem>> -> memref<1x1x128x32xf32, #tpu.memory_space<vmem>>
    %dma_wait3A_188 = tpu.memref_squeeze %dma_wait3A_187 : memref<1x1x128x32xf32, #tpu.memory_space<vmem>> -> memref<128x32xf32, #tpu.memory_space<vmem>>
    %dma_wait3A_189 = arith.constant 64 : i32
    %dma_wait3A_190 = tpu.memref_slice %arg7[%dma_wait3A_183, %mul3A_2, %dma_wait3A_189] : memref<50x4096x128xf32, #tpu.memory_space<hbm>> -> memref<1x128x32xf32, #tpu.memory_space<hbm>>
    %dma_wait3A_191 = tpu.memref_squeeze %dma_wait3A_190 : memref<1x128x32xf32, #tpu.memory_space<hbm>> -> memref<128x32xf32, #tpu.memory_space<hbm>>
    %dma_wait3A_192 = tpu.memref_slice %arg11[%dma_wait3A_184] : memref<4x!tpu.dma_semaphore, #tpu.memory_space<semaphore_mem>> -> memref<1x!tpu.dma_semaphore, #tpu.memory_space<semaphore_mem>>
    %dma_wait3A_193 = tpu.memref_squeeze %dma_wait3A_192 : memref<1x!tpu.dma_semaphore, #tpu.memory_space<semaphore_mem>> -> memref<!tpu.dma_semaphore, #tpu.memory_space<semaphore_mem>>
    %dma_wait3A_194 = arith.constant 64 : i32
    %dma_wait3A_195 = tpu.memref_slice %arg7[%dma_wait3A_183, %mul3A_2, %dma_wait3A_194] : memref<50x4096x128xf32, #tpu.memory_space<hbm>> -> memref<1x128x32xf32, #tpu.memory_space<hbm>>
    %dma_wait3A_196 = tpu.memref_squeeze %dma_wait3A_195 : memref<1x128x32xf32, #tpu.memory_space<hbm>> -> memref<128x32xf32, #tpu.memory_space<hbm>>
    %dma_wait3A_197 = arith.constant 0 : i32
    %dma_wait3A_198 = arith.constant 0 : i32
    %dma_wait3A_199 = tpu.memref_slice %arg9[%dma_wait3A_181, %dma_wait3A_182, %dma_wait3A_197, %dma_wait3A_198] : memref<4x4x128x32xf32, #tpu.memory_space<vmem>> -> memref<1x1x128x32xf32, #tpu.memory_space<vmem>>
    %dma_wait3A_200 = tpu.memref_squeeze %dma_wait3A_199 : memref<1x1x128x32xf32, #tpu.memory_space<vmem>> -> memref<128x32xf32, #tpu.memory_space<vmem>>
    tpu.wait_dma2 semaphore(%dma_wait3A_193 : memref<!tpu.dma_semaphore, #tpu.memory_space<semaphore_mem>>) src(%dma_wait3A_200 : memref<128x32xf32, #tpu.memory_space<vmem>>) dst(%dma_wait3A_196 : memref<128x32xf32, #tpu.memory_space<hbm>>)
    %dma_wait3A_201 = arith.constant 2 : i32
    %dma_wait3A_202 = arith.constant 3 : i32
    %dma_wait3A_203 = arith.constant 46 : i32
    %dma_wait3A_204 = arith.constant 2 : i32
    %dma_wait3A_205 = arith.constant 0 : i32
    %dma_wait3A_206 = arith.constant 0 : i32
    %dma_wait3A_207 = tpu.memref_slice %arg9[%dma_wait3A_201, %dma_wait3A_202, %dma_wait3A_205, %dma_wait3A_206] : memref<4x4x128x32xf32, #tpu.memory_space<vmem>> -> memref<1x1x128x32xf32, #tpu.memory_space<vmem>>
    %dma_wait3A_208 = tpu.memref_squeeze %dma_wait3A_207 : memref<1x1x128x32xf32, #tpu.memory_space<vmem>> -> memref<128x32xf32, #tpu.memory_space<vmem>>
    %dma_wait3A_209 = arith.constant 96 : i32
    %dma_wait3A_210 = tpu.memref_slice %arg7[%dma_wait3A_203, %mul3A_2, %dma_wait3A_209] : memref<50x4096x128xf32, #tpu.memory_space<hbm>> -> memref<1x128x32xf32, #tpu.memory_space<hbm>>
    %dma_wait3A_211 = tpu.memref_squeeze %dma_wait3A_210 : memref<1x128x32xf32, #tpu.memory_space<hbm>> -> memref<128x32xf32, #tpu.memory_space<hbm>>
    %dma_wait3A_212 = tpu.memref_slice %arg11[%dma_wait3A_204] : memref<4x!tpu.dma_semaphore, #tpu.memory_space<semaphore_mem>> -> memref<1x!tpu.dma_semaphore, #tpu.memory_space<semaphore_mem>>
    %dma_wait3A_213 = tpu.memref_squeeze %dma_wait3A_212 : memref<1x!tpu.dma_semaphore, #tpu.memory_space<semaphore_mem>> -> memref<!tpu.dma_semaphore, #tpu.memory_space<semaphore_mem>>
    %dma_wait3A_214 = arith.constant 96 : i32
    %dma_wait3A_215 = tpu.memref_slice %arg7[%dma_wait3A_203, %mul3A_2, %dma_wait3A_214] : memref<50x4096x128xf32, #tpu.memory_space<hbm>> -> memref<1x128x32xf32, #tpu.memory_space<hbm>>
    %dma_wait3A_216 = tpu.memref_squeeze %dma_wait3A_215 : memref<1x128x32xf32, #tpu.memory_space<hbm>> -> memref<128x32xf32, #tpu.memory_space<hbm>>
    %dma_wait3A_217 = arith.constant 0 : i32
    %dma_wait3A_218 = arith.constant 0 : i32
    %dma_wait3A_219 = tpu.memref_slice %arg9[%dma_wait3A_201, %dma_wait3A_202, %dma_wait3A_217, %dma_wait3A_218] : memref<4x4x128x32xf32, #tpu.memory_space<vmem>> -> memref<1x1x128x32xf32, #tpu.memory_space<vmem>>
    %dma_wait3A_220 = tpu.memref_squeeze %dma_wait3A_219 : memref<1x1x128x32xf32, #tpu.memory_space<vmem>> -> memref<128x32xf32, #tpu.memory_space<vmem>>
    tpu.wait_dma2 semaphore(%dma_wait3A_213 : memref<!tpu.dma_semaphore, #tpu.memory_space<semaphore_mem>>) src(%dma_wait3A_220 : memref<128x32xf32, #tpu.memory_space<vmem>>) dst(%dma_wait3A_216 : memref<128x32xf32, #tpu.memory_space<hbm>>)
    %dma_wait3A_221 = arith.constant 3 : i32
    %dma_wait3A_222 = arith.constant 0 : i32
    %dma_wait3A_223 = arith.constant 47 : i32
    %dma_wait3A_224 = arith.constant 3 : i32
    %dma_wait3A_225 = arith.constant 0 : i32
    %dma_wait3A_226 = arith.constant 0 : i32
    %dma_wait3A_227 = tpu.memref_slice %arg9[%dma_wait3A_221, %dma_wait3A_222, %dma_wait3A_225, %dma_wait3A_226] : memref<4x4x128x32xf32, #tpu.memory_space<vmem>> -> memref<1x1x128x32xf32, #tpu.memory_space<vmem>>
    %dma_wait3A_228 = tpu.memref_squeeze %dma_wait3A_227 : memref<1x1x128x32xf32, #tpu.memory_space<vmem>> -> memref<128x32xf32, #tpu.memory_space<vmem>>
    %dma_wait3A_229 = arith.constant 0 : i32
    %dma_wait3A_230 = tpu.memref_slice %arg7[%dma_wait3A_223, %mul3A_2, %dma_wait3A_229] : memref<50x4096x128xf32, #tpu.memory_space<hbm>> -> memref<1x128x32xf32, #tpu.memory_space<hbm>>
    %dma_wait3A_231 = tpu.memref_squeeze %dma_wait3A_230 : memref<1x128x32xf32, #tpu.memory_space<hbm>> -> memref<128x32xf32, #tpu.memory_space<hbm>>
    %dma_wait3A_232 = tpu.memref_slice %arg11[%dma_wait3A_224] : memref<4x!tpu.dma_semaphore, #tpu.memory_space<semaphore_mem>> -> memref<1x!tpu.dma_semaphore, #tpu.memory_space<semaphore_mem>>
    %dma_wait3A_233 = tpu.memref_squeeze %dma_wait3A_232 : memref<1x!tpu.dma_semaphore, #tpu.memory_space<semaphore_mem>> -> memref<!tpu.dma_semaphore, #tpu.memory_space<semaphore_mem>>
    %dma_wait3A_234 = arith.constant 0 : i32
    %dma_wait3A_235 = tpu.memref_slice %arg7[%dma_wait3A_223, %mul3A_2, %dma_wait3A_234] : memref<50x4096x128xf32, #tpu.memory_space<hbm>> -> memref<1x128x32xf32, #tpu.memory_space<hbm>>
    %dma_wait3A_236 = tpu.memref_squeeze %dma_wait3A_235 : memref<1x128x32xf32, #tpu.memory_space<hbm>> -> memref<128x32xf32, #tpu.memory_space<hbm>>
    %dma_wait3A_237 = arith.constant 0 : i32
    %dma_wait3A_238 = arith.constant 0 : i32
    %dma_wait3A_239 = tpu.memref_slice %arg9[%dma_wait3A_221, %dma_wait3A_222, %dma_wait3A_237, %dma_wait3A_238] : memref<4x4x128x32xf32, #tpu.memory_space<vmem>> -> memref<1x1x128x32xf32, #tpu.memory_space<vmem>>
    %dma_wait3A_240 = tpu.memref_squeeze %dma_wait3A_239 : memref<1x1x128x32xf32, #tpu.memory_space<vmem>> -> memref<128x32xf32, #tpu.memory_space<vmem>>
    tpu.wait_dma2 semaphore(%dma_wait3A_233 : memref<!tpu.dma_semaphore, #tpu.memory_space<semaphore_mem>>) src(%dma_wait3A_240 : memref<128x32xf32, #tpu.memory_space<vmem>>) dst(%dma_wait3A_236 : memref<128x32xf32, #tpu.memory_space<hbm>>)
    %dma_wait3A_241 = arith.constant 3 : i32
    %dma_wait3A_242 = arith.constant 1 : i32
    %dma_wait3A_243 = arith.constant 47 : i32
    %dma_wait3A_244 = arith.constant 3 : i32
    %dma_wait3A_245 = arith.constant 0 : i32
    %dma_wait3A_246 = arith.constant 0 : i32
    %dma_wait3A_247 = tpu.memref_slice %arg9[%dma_wait3A_241, %dma_wait3A_242, %dma_wait3A_245, %dma_wait3A_246] : memref<4x4x128x32xf32, #tpu.memory_space<vmem>> -> memref<1x1x128x32xf32, #tpu.memory_space<vmem>>
    %dma_wait3A_248 = tpu.memref_squeeze %dma_wait3A_247 : memref<1x1x128x32xf32, #tpu.memory_space<vmem>> -> memref<128x32xf32, #tpu.memory_space<vmem>>
    %dma_wait3A_249 = arith.constant 32 : i32
    %dma_wait3A_250 = tpu.memref_slice %arg7[%dma_wait3A_243, %mul3A_2, %dma_wait3A_249] : memref<50x4096x128xf32, #tpu.memory_space<hbm>> -> memref<1x128x32xf32, #tpu.memory_space<hbm>>
    %dma_wait3A_251 = tpu.memref_squeeze %dma_wait3A_250 : memref<1x128x32xf32, #tpu.memory_space<hbm>> -> memref<128x32xf32, #tpu.memory_space<hbm>>
    %dma_wait3A_252 = tpu.memref_slice %arg11[%dma_wait3A_244] : memref<4x!tpu.dma_semaphore, #tpu.memory_space<semaphore_mem>> -> memref<1x!tpu.dma_semaphore, #tpu.memory_space<semaphore_mem>>
    %dma_wait3A_253 = tpu.memref_squeeze %dma_wait3A_252 : memref<1x!tpu.dma_semaphore, #tpu.memory_space<semaphore_mem>> -> memref<!tpu.dma_semaphore, #tpu.memory_space<semaphore_mem>>
    %dma_wait3A_254 = arith.constant 32 : i32
    %dma_wait3A_255 = tpu.memref_slice %arg7[%dma_wait3A_243, %mul3A_2, %dma_wait3A_254] : memref<50x4096x128xf32, #tpu.memory_space<hbm>> -> memref<1x128x32xf32, #tpu.memory_space<hbm>>
    %dma_wait3A_256 = tpu.memref_squeeze %dma_wait3A_255 : memref<1x128x32xf32, #tpu.memory_space<hbm>> -> memref<128x32xf32, #tpu.memory_space<hbm>>
    %dma_wait3A_257 = arith.constant 0 : i32
    %dma_wait3A_258 = arith.constant 0 : i32
    %dma_wait3A_259 = tpu.memref_slice %arg9[%dma_wait3A_241, %dma_wait3A_242, %dma_wait3A_257, %dma_wait3A_258] : memref<4x4x128x32xf32, #tpu.memory_space<vmem>> -> memref<1x1x128x32xf32, #tpu.memory_space<vmem>>
    %dma_wait3A_260 = tpu.memref_squeeze %dma_wait3A_259 : memref<1x1x128x32xf32, #tpu.memory_space<vmem>> -> memref<128x32xf32, #tpu.memory_space<vmem>>
    tpu.wait_dma2 semaphore(%dma_wait3A_253 : memref<!tpu.dma_semaphore, #tpu.memory_space<semaphore_mem>>) src(%dma_wait3A_260 : memref<128x32xf32, #tpu.memory_space<vmem>>) dst(%dma_wait3A_256 : memref<128x32xf32, #tpu.memory_space<hbm>>)
    %dma_wait3A_261 = arith.constant 3 : i32
    %dma_wait3A_262 = arith.constant 2 : i32
    %dma_wait3A_263 = arith.constant 47 : i32
    %dma_wait3A_264 = arith.constant 3 : i32
    %dma_wait3A_265 = arith.constant 0 : i32
    %dma_wait3A_266 = arith.constant 0 : i32
    %dma_wait3A_267 = tpu.memref_slice %arg9[%dma_wait3A_261, %dma_wait3A_262, %dma_wait3A_265, %dma_wait3A_266] : memref<4x4x128x32xf32, #tpu.memory_space<vmem>> -> memref<1x1x128x32xf32, #tpu.memory_space<vmem>>
    %dma_wait3A_268 = tpu.memref_squeeze %dma_wait3A_267 : memref<1x1x128x32xf32, #tpu.memory_space<vmem>> -> memref<128x32xf32, #tpu.memory_space<vmem>>
    %dma_wait3A_269 = arith.constant 64 : i32
    %dma_wait3A_270 = tpu.memref_slice %arg7[%dma_wait3A_263, %mul3A_2, %dma_wait3A_269] : memref<50x4096x128xf32, #tpu.memory_space<hbm>> -> memref<1x128x32xf32, #tpu.memory_space<hbm>>
    %dma_wait3A_271 = tpu.memref_squeeze %dma_wait3A_270 : memref<1x128x32xf32, #tpu.memory_space<hbm>> -> memref<128x32xf32, #tpu.memory_space<hbm>>
    %dma_wait3A_272 = tpu.memref_slice %arg11[%dma_wait3A_264] : memref<4x!tpu.dma_semaphore, #tpu.memory_space<semaphore_mem>> -> memref<1x!tpu.dma_semaphore, #tpu.memory_space<semaphore_mem>>
    %dma_wait3A_273 = tpu.memref_squeeze %dma_wait3A_272 : memref<1x!tpu.dma_semaphore, #tpu.memory_space<semaphore_mem>> -> memref<!tpu.dma_semaphore, #tpu.memory_space<semaphore_mem>>
    %dma_wait3A_274 = arith.constant 64 : i32
    %dma_wait3A_275 = tpu.memref_slice %arg7[%dma_wait3A_263, %mul3A_2, %dma_wait3A_274] : memref<50x4096x128xf32, #tpu.memory_space<hbm>> -> memref<1x128x32xf32, #tpu.memory_space<hbm>>
    %dma_wait3A_276 = tpu.memref_squeeze %dma_wait3A_275 : memref<1x128x32xf32, #tpu.memory_space<hbm>> -> memref<128x32xf32, #tpu.memory_space<hbm>>
    %dma_wait3A_277 = arith.constant 0 : i32
    %dma_wait3A_278 = arith.constant 0 : i32
    %dma_wait3A_279 = tpu.memref_slice %arg9[%dma_wait3A_261, %dma_wait3A_262, %dma_wait3A_277, %dma_wait3A_278] : memref<4x4x128x32xf32, #tpu.memory_space<vmem>> -> memref<1x1x128x32xf32, #tpu.memory_space<vmem>>
    %dma_wait3A_280 = tpu.memref_squeeze %dma_wait3A_279 : memref<1x1x128x32xf32, #tpu.memory_space<vmem>> -> memref<128x32xf32, #tpu.memory_space<vmem>>
    tpu.wait_dma2 semaphore(%dma_wait3A_273 : memref<!tpu.dma_semaphore, #tpu.memory_space<semaphore_mem>>) src(%dma_wait3A_280 : memref<128x32xf32, #tpu.memory_space<vmem>>) dst(%dma_wait3A_276 : memref<128x32xf32, #tpu.memory_space<hbm>>)
    %dma_wait3A_281 = arith.constant 3 : i32
    %dma_wait3A_282 = arith.constant 3 : i32
    %dma_wait3A_283 = arith.constant 47 : i32
    %dma_wait3A_284 = arith.constant 3 : i32
    %dma_wait3A_285 = arith.constant 0 : i32
    %dma_wait3A_286 = arith.constant 0 : i32
    %dma_wait3A_287 = tpu.memref_slice %arg9[%dma_wait3A_281, %dma_wait3A_282, %dma_wait3A_285, %dma_wait3A_286] : memref<4x4x128x32xf32, #tpu.memory_space<vmem>> -> memref<1x1x128x32xf32, #tpu.memory_space<vmem>>
    %dma_wait3A_288 = tpu.memref_squeeze %dma_wait3A_287 : memref<1x1x128x32xf32, #tpu.memory_space<vmem>> -> memref<128x32xf32, #tpu.memory_space<vmem>>
    %dma_wait3A_289 = arith.constant 96 : i32
    %dma_wait3A_290 = tpu.memref_slice %arg7[%dma_wait3A_283, %mul3A_2, %dma_wait3A_289] : memref<50x4096x128xf32, #tpu.memory_space<hbm>> -> memref<1x128x32xf32, #tpu.memory_space<hbm>>
    %dma_wait3A_291 = tpu.memref_squeeze %dma_wait3A_290 : memref<1x128x32xf32, #tpu.memory_space<hbm>> -> memref<128x32xf32, #tpu.memory_space<hbm>>
    %dma_wait3A_292 = tpu.memref_slice %arg11[%dma_wait3A_284] : memref<4x!tpu.dma_semaphore, #tpu.memory_space<semaphore_mem>> -> memref<1x!tpu.dma_semaphore, #tpu.memory_space<semaphore_mem>>
    %dma_wait3A_293 = tpu.memref_squeeze %dma_wait3A_292 : memref<1x!tpu.dma_semaphore, #tpu.memory_space<semaphore_mem>> -> memref<!tpu.dma_semaphore, #tpu.memory_space<semaphore_mem>>
    %dma_wait3A_294 = arith.constant 96 : i32
    %dma_wait3A_295 = tpu.memref_slice %arg7[%dma_wait3A_283, %mul3A_2, %dma_wait3A_294] : memref<50x4096x128xf32, #tpu.memory_space<hbm>> -> memref<1x128x32xf32, #tpu.memory_space<hbm>>
    %dma_wait3A_296 = tpu.memref_squeeze %dma_wait3A_295 : memref<1x128x32xf32, #tpu.memory_space<hbm>> -> memref<128x32xf32, #tpu.memory_space<hbm>>
    %dma_wait3A_297 = arith.constant 0 : i32
    %dma_wait3A_298 = arith.constant 0 : i32
    %dma_wait3A_299 = tpu.memref_slice %arg9[%dma_wait3A_281, %dma_wait3A_282, %dma_wait3A_297, %dma_wait3A_298] : memref<4x4x128x32xf32, #tpu.memory_space<vmem>> -> memref<1x1x128x32xf32, #tpu.memory_space<vmem>>
    %dma_wait3A_300 = tpu.memref_squeeze %dma_wait3A_299 : memref<1x1x128x32xf32, #tpu.memory_space<vmem>> -> memref<128x32xf32, #tpu.memory_space<vmem>>
    tpu.wait_dma2 semaphore(%dma_wait3A_293 : memref<!tpu.dma_semaphore, #tpu.memory_space<semaphore_mem>>) src(%dma_wait3A_300 : memref<128x32xf32, #tpu.memory_space<vmem>>) dst(%dma_wait3A_296 : memref<128x32xf32, #tpu.memory_space<hbm>>)
    %dma_wait3A_301 = arith.constant 0 : i32
    %dma_wait3A_302 = arith.constant 0 : i32
    %dma_wait3A_303 = arith.constant 48 : i32
    %dma_wait3A_304 = arith.constant 0 : i32
    %dma_wait3A_305 = arith.constant 0 : i32
    %dma_wait3A_306 = arith.constant 0 : i32
    %dma_wait3A_307 = tpu.memref_slice %arg9[%dma_wait3A_301, %dma_wait3A_302, %dma_wait3A_305, %dma_wait3A_306] : memref<4x4x128x32xf32, #tpu.memory_space<vmem>> -> memref<1x1x128x32xf32, #tpu.memory_space<vmem>>
    %dma_wait3A_308 = tpu.memref_squeeze %dma_wait3A_307 : memref<1x1x128x32xf32, #tpu.memory_space<vmem>> -> memref<128x32xf32, #tpu.memory_space<vmem>>
    %dma_wait3A_309 = arith.constant 0 : i32
    %dma_wait3A_310 = tpu.memref_slice %arg7[%dma_wait3A_303, %mul3A_2, %dma_wait3A_309] : memref<50x4096x128xf32, #tpu.memory_space<hbm>> -> memref<1x128x32xf32, #tpu.memory_space<hbm>>
    %dma_wait3A_311 = tpu.memref_squeeze %dma_wait3A_310 : memref<1x128x32xf32, #tpu.memory_space<hbm>> -> memref<128x32xf32, #tpu.memory_space<hbm>>
    %dma_wait3A_312 = tpu.memref_slice %arg11[%dma_wait3A_304] : memref<4x!tpu.dma_semaphore, #tpu.memory_space<semaphore_mem>> -> memref<1x!tpu.dma_semaphore, #tpu.memory_space<semaphore_mem>>
    %dma_wait3A_313 = tpu.memref_squeeze %dma_wait3A_312 : memref<1x!tpu.dma_semaphore, #tpu.memory_space<semaphore_mem>> -> memref<!tpu.dma_semaphore, #tpu.memory_space<semaphore_mem>>
    %dma_wait3A_314 = arith.constant 0 : i32
    %dma_wait3A_315 = tpu.memref_slice %arg7[%dma_wait3A_303, %mul3A_2, %dma_wait3A_314] : memref<50x4096x128xf32, #tpu.memory_space<hbm>> -> memref<1x128x32xf32, #tpu.memory_space<hbm>>
    %dma_wait3A_316 = tpu.memref_squeeze %dma_wait3A_315 : memref<1x128x32xf32, #tpu.memory_space<hbm>> -> memref<128x32xf32, #tpu.memory_space<hbm>>
    %dma_wait3A_317 = arith.constant 0 : i32
    %dma_wait3A_318 = arith.constant 0 : i32
    %dma_wait3A_319 = tpu.memref_slice %arg9[%dma_wait3A_301, %dma_wait3A_302, %dma_wait3A_317, %dma_wait3A_318] : memref<4x4x128x32xf32, #tpu.memory_space<vmem>> -> memref<1x1x128x32xf32, #tpu.memory_space<vmem>>
    %dma_wait3A_320 = tpu.memref_squeeze %dma_wait3A_319 : memref<1x1x128x32xf32, #tpu.memory_space<vmem>> -> memref<128x32xf32, #tpu.memory_space<vmem>>
    tpu.wait_dma2 semaphore(%dma_wait3A_313 : memref<!tpu.dma_semaphore, #tpu.memory_space<semaphore_mem>>) src(%dma_wait3A_320 : memref<128x32xf32, #tpu.memory_space<vmem>>) dst(%dma_wait3A_316 : memref<128x32xf32, #tpu.memory_space<hbm>>)
    %dma_wait3A_321 = arith.constant 0 : i32
    %dma_wait3A_322 = arith.constant 1 : i32
    %dma_wait3A_323 = arith.constant 48 : i32
    %dma_wait3A_324 = arith.constant 0 : i32
    %dma_wait3A_325 = arith.constant 0 : i32
    %dma_wait3A_326 = arith.constant 0 : i32
    %dma_wait3A_327 = tpu.memref_slice %arg9[%dma_wait3A_321, %dma_wait3A_322, %dma_wait3A_325, %dma_wait3A_326] : memref<4x4x128x32xf32, #tpu.memory_space<vmem>> -> memref<1x1x128x32xf32, #tpu.memory_space<vmem>>
    %dma_wait3A_328 = tpu.memref_squeeze %dma_wait3A_327 : memref<1x1x128x32xf32, #tpu.memory_space<vmem>> -> memref<128x32xf32, #tpu.memory_space<vmem>>
    %dma_wait3A_329 = arith.constant 32 : i32
    %dma_wait3A_330 = tpu.memref_slice %arg7[%dma_wait3A_323, %mul3A_2, %dma_wait3A_329] : memref<50x4096x128xf32, #tpu.memory_space<hbm>> -> memref<1x128x32xf32, #tpu.memory_space<hbm>>
    %dma_wait3A_331 = tpu.memref_squeeze %dma_wait3A_330 : memref<1x128x32xf32, #tpu.memory_space<hbm>> -> memref<128x32xf32, #tpu.memory_space<hbm>>
    %dma_wait3A_332 = tpu.memref_slice %arg11[%dma_wait3A_324] : memref<4x!tpu.dma_semaphore, #tpu.memory_space<semaphore_mem>> -> memref<1x!tpu.dma_semaphore, #tpu.memory_space<semaphore_mem>>
    %dma_wait3A_333 = tpu.memref_squeeze %dma_wait3A_332 : memref<1x!tpu.dma_semaphore, #tpu.memory_space<semaphore_mem>> -> memref<!tpu.dma_semaphore, #tpu.memory_space<semaphore_mem>>
    %dma_wait3A_334 = arith.constant 32 : i32
    %dma_wait3A_335 = tpu.memref_slice %arg7[%dma_wait3A_323, %mul3A_2, %dma_wait3A_334] : memref<50x4096x128xf32, #tpu.memory_space<hbm>> -> memref<1x128x32xf32, #tpu.memory_space<hbm>>
    %dma_wait3A_336 = tpu.memref_squeeze %dma_wait3A_335 : memref<1x128x32xf32, #tpu.memory_space<hbm>> -> memref<128x32xf32, #tpu.memory_space<hbm>>
    %dma_wait3A_337 = arith.constant 0 : i32
    %dma_wait3A_338 = arith.constant 0 : i32
    %dma_wait3A_339 = tpu.memref_slice %arg9[%dma_wait3A_321, %dma_wait3A_322, %dma_wait3A_337, %dma_wait3A_338] : memref<4x4x128x32xf32, #tpu.memory_space<vmem>> -> memref<1x1x128x32xf32, #tpu.memory_space<vmem>>
    %dma_wait3A_340 = tpu.memref_squeeze %dma_wait3A_339 : memref<1x1x128x32xf32, #tpu.memory_space<vmem>> -> memref<128x32xf32, #tpu.memory_space<vmem>>
    tpu.wait_dma2 semaphore(%dma_wait3A_333 : memref<!tpu.dma_semaphore, #tpu.memory_space<semaphore_mem>>) src(%dma_wait3A_340 : memref<128x32xf32, #tpu.memory_space<vmem>>) dst(%dma_wait3A_336 : memref<128x32xf32, #tpu.memory_space<hbm>>)
    %dma_wait3A_341 = arith.constant 0 : i32
    %dma_wait3A_342 = arith.constant 2 : i32
    %dma_wait3A_343 = arith.constant 48 : i32
    %dma_wait3A_344 = arith.constant 0 : i32
    %dma_wait3A_345 = arith.constant 0 : i32
    %dma_wait3A_346 = arith.constant 0 : i32
    %dma_wait3A_347 = tpu.memref_slice %arg9[%dma_wait3A_341, %dma_wait3A_342, %dma_wait3A_345, %dma_wait3A_346] : memref<4x4x128x32xf32, #tpu.memory_space<vmem>> -> memref<1x1x128x32xf32, #tpu.memory_space<vmem>>
    %dma_wait3A_348 = tpu.memref_squeeze %dma_wait3A_347 : memref<1x1x128x32xf32, #tpu.memory_space<vmem>> -> memref<128x32xf32, #tpu.memory_space<vmem>>
    %dma_wait3A_349 = arith.constant 64 : i32
    %dma_wait3A_350 = tpu.memref_slice %arg7[%dma_wait3A_343, %mul3A_2, %dma_wait3A_349] : memref<50x4096x128xf32, #tpu.memory_space<hbm>> -> memref<1x128x32xf32, #tpu.memory_space<hbm>>
    %dma_wait3A_351 = tpu.memref_squeeze %dma_wait3A_350 : memref<1x128x32xf32, #tpu.memory_space<hbm>> -> memref<128x32xf32, #tpu.memory_space<hbm>>
    %dma_wait3A_352 = tpu.memref_slice %arg11[%dma_wait3A_344] : memref<4x!tpu.dma_semaphore, #tpu.memory_space<semaphore_mem>> -> memref<1x!tpu.dma_semaphore, #tpu.memory_space<semaphore_mem>>
    %dma_wait3A_353 = tpu.memref_squeeze %dma_wait3A_352 : memref<1x!tpu.dma_semaphore, #tpu.memory_space<semaphore_mem>> -> memref<!tpu.dma_semaphore, #tpu.memory_space<semaphore_mem>>
    %dma_wait3A_354 = arith.constant 64 : i32
    %dma_wait3A_355 = tpu.memref_slice %arg7[%dma_wait3A_343, %mul3A_2, %dma_wait3A_354] : memref<50x4096x128xf32, #tpu.memory_space<hbm>> -> memref<1x128x32xf32, #tpu.memory_space<hbm>>
    %dma_wait3A_356 = tpu.memref_squeeze %dma_wait3A_355 : memref<1x128x32xf32, #tpu.memory_space<hbm>> -> memref<128x32xf32, #tpu.memory_space<hbm>>
    %dma_wait3A_357 = arith.constant 0 : i32
    %dma_wait3A_358 = arith.constant 0 : i32
    %dma_wait3A_359 = tpu.memref_slice %arg9[%dma_wait3A_341, %dma_wait3A_342, %dma_wait3A_357, %dma_wait3A_358] : memref<4x4x128x32xf32, #tpu.memory_space<vmem>> -> memref<1x1x128x32xf32, #tpu.memory_space<vmem>>
    %dma_wait3A_360 = tpu.memref_squeeze %dma_wait3A_359 : memref<1x1x128x32xf32, #tpu.memory_space<vmem>> -> memref<128x32xf32, #tpu.memory_space<vmem>>
    tpu.wait_dma2 semaphore(%dma_wait3A_353 : memref<!tpu.dma_semaphore, #tpu.memory_space<semaphore_mem>>) src(%dma_wait3A_360 : memref<128x32xf32, #tpu.memory_space<vmem>>) dst(%dma_wait3A_356 : memref<128x32xf32, #tpu.memory_space<hbm>>)
    %dma_wait3A_361 = arith.constant 0 : i32
    %dma_wait3A_362 = arith.constant 3 : i32
    %dma_wait3A_363 = arith.constant 48 : i32
    %dma_wait3A_364 = arith.constant 0 : i32
    %dma_wait3A_365 = arith.constant 0 : i32
    %dma_wait3A_366 = arith.constant 0 : i32
    %dma_wait3A_367 = tpu.memref_slice %arg9[%dma_wait3A_361, %dma_wait3A_362, %dma_wait3A_365, %dma_wait3A_366] : memref<4x4x128x32xf32, #tpu.memory_space<vmem>> -> memref<1x1x128x32xf32, #tpu.memory_space<vmem>>
    %dma_wait3A_368 = tpu.memref_squeeze %dma_wait3A_367 : memref<1x1x128x32xf32, #tpu.memory_space<vmem>> -> memref<128x32xf32, #tpu.memory_space<vmem>>
    %dma_wait3A_369 = arith.constant 96 : i32
    %dma_wait3A_370 = tpu.memref_slice %arg7[%dma_wait3A_363, %mul3A_2, %dma_wait3A_369] : memref<50x4096x128xf32, #tpu.memory_space<hbm>> -> memref<1x128x32xf32, #tpu.memory_space<hbm>>
    %dma_wait3A_371 = tpu.memref_squeeze %dma_wait3A_370 : memref<1x128x32xf32, #tpu.memory_space<hbm>> -> memref<128x32xf32, #tpu.memory_space<hbm>>
    %dma_wait3A_372 = tpu.memref_slice %arg11[%dma_wait3A_364] : memref<4x!tpu.dma_semaphore, #tpu.memory_space<semaphore_mem>> -> memref<1x!tpu.dma_semaphore, #tpu.memory_space<semaphore_mem>>
    %dma_wait3A_373 = tpu.memref_squeeze %dma_wait3A_372 : memref<1x!tpu.dma_semaphore, #tpu.memory_space<semaphore_mem>> -> memref<!tpu.dma_semaphore, #tpu.memory_space<semaphore_mem>>
    %dma_wait3A_374 = arith.constant 96 : i32
    %dma_wait3A_375 = tpu.memref_slice %arg7[%dma_wait3A_363, %mul3A_2, %dma_wait3A_374] : memref<50x4096x128xf32, #tpu.memory_space<hbm>> -> memref<1x128x32xf32, #tpu.memory_space<hbm>>
    %dma_wait3A_376 = tpu.memref_squeeze %dma_wait3A_375 : memref<1x128x32xf32, #tpu.memory_space<hbm>> -> memref<128x32xf32, #tpu.memory_space<hbm>>
    %dma_wait3A_377 = arith.constant 0 : i32
    %dma_wait3A_378 = arith.constant 0 : i32
    %dma_wait3A_379 = tpu.memref_slice %arg9[%dma_wait3A_361, %dma_wait3A_362, %dma_wait3A_377, %dma_wait3A_378] : memref<4x4x128x32xf32, #tpu.memory_space<vmem>> -> memref<1x1x128x32xf32, #tpu.memory_space<vmem>>
    %dma_wait3A_380 = tpu.memref_squeeze %dma_wait3A_379 : memref<1x1x128x32xf32, #tpu.memory_space<vmem>> -> memref<128x32xf32, #tpu.memory_space<vmem>>
    tpu.wait_dma2 semaphore(%dma_wait3A_373 : memref<!tpu.dma_semaphore, #tpu.memory_space<semaphore_mem>>) src(%dma_wait3A_380 : memref<128x32xf32, #tpu.memory_space<vmem>>) dst(%dma_wait3A_376 : memref<128x32xf32, #tpu.memory_space<hbm>>)
    %dma_wait3A_381 = arith.constant 1 : i32
    %dma_wait3A_382 = arith.constant 0 : i32
    %dma_wait3A_383 = arith.constant 49 : i32
    %dma_wait3A_384 = arith.constant 1 : i32
    %dma_wait3A_385 = arith.constant 0 : i32
    %dma_wait3A_386 = arith.constant 0 : i32
    %dma_wait3A_387 = tpu.memref_slice %arg9[%dma_wait3A_381, %dma_wait3A_382, %dma_wait3A_385, %dma_wait3A_386] : memref<4x4x128x32xf32, #tpu.memory_space<vmem>> -> memref<1x1x128x32xf32, #tpu.memory_space<vmem>>
    %dma_wait3A_388 = tpu.memref_squeeze %dma_wait3A_387 : memref<1x1x128x32xf32, #tpu.memory_space<vmem>> -> memref<128x32xf32, #tpu.memory_space<vmem>>
    %dma_wait3A_389 = arith.constant 0 : i32
    %dma_wait3A_390 = tpu.memref_slice %arg7[%dma_wait3A_383, %mul3A_2, %dma_wait3A_389] : memref<50x4096x128xf32, #tpu.memory_space<hbm>> -> memref<1x128x32xf32, #tpu.memory_space<hbm>>
    %dma_wait3A_391 = tpu.memref_squeeze %dma_wait3A_390 : memref<1x128x32xf32, #tpu.memory_space<hbm>> -> memref<128x32xf32, #tpu.memory_space<hbm>>
    %dma_wait3A_392 = tpu.memref_slice %arg11[%dma_wait3A_384] : memref<4x!tpu.dma_semaphore, #tpu.memory_space<semaphore_mem>> -> memref<1x!tpu.dma_semaphore, #tpu.memory_space<semaphore_mem>>
    %dma_wait3A_393 = tpu.memref_squeeze %dma_wait3A_392 : memref<1x!tpu.dma_semaphore, #tpu.memory_space<semaphore_mem>> -> memref<!tpu.dma_semaphore, #tpu.memory_space<semaphore_mem>>
    %dma_wait3A_394 = arith.constant 0 : i32
    %dma_wait3A_395 = tpu.memref_slice %arg7[%dma_wait3A_383, %mul3A_2, %dma_wait3A_394] : memref<50x4096x128xf32, #tpu.memory_space<hbm>> -> memref<1x128x32xf32, #tpu.memory_space<hbm>>
    %dma_wait3A_396 = tpu.memref_squeeze %dma_wait3A_395 : memref<1x128x32xf32, #tpu.memory_space<hbm>> -> memref<128x32xf32, #tpu.memory_space<hbm>>
    %dma_wait3A_397 = arith.constant 0 : i32
    %dma_wait3A_398 = arith.constant 0 : i32
    %dma_wait3A_399 = tpu.memref_slice %arg9[%dma_wait3A_381, %dma_wait3A_382, %dma_wait3A_397, %dma_wait3A_398] : memref<4x4x128x32xf32, #tpu.memory_space<vmem>> -> memref<1x1x128x32xf32, #tpu.memory_space<vmem>>
    %dma_wait3A_400 = tpu.memref_squeeze %dma_wait3A_399 : memref<1x1x128x32xf32, #tpu.memory_space<vmem>> -> memref<128x32xf32, #tpu.memory_space<vmem>>
    tpu.wait_dma2 semaphore(%dma_wait3A_393 : memref<!tpu.dma_semaphore, #tpu.memory_space<semaphore_mem>>) src(%dma_wait3A_400 : memref<128x32xf32, #tpu.memory_space<vmem>>) dst(%dma_wait3A_396 : memref<128x32xf32, #tpu.memory_space<hbm>>)
    %dma_wait3A_401 = arith.constant 1 : i32
    %dma_wait3A_402 = arith.constant 1 : i32
    %dma_wait3A_403 = arith.constant 49 : i32
    %dma_wait3A_404 = arith.constant 1 : i32
    %dma_wait3A_405 = arith.constant 0 : i32
    %dma_wait3A_406 = arith.constant 0 : i32
    %dma_wait3A_407 = tpu.memref_slice %arg9[%dma_wait3A_401, %dma_wait3A_402, %dma_wait3A_405, %dma_wait3A_406] : memref<4x4x128x32xf32, #tpu.memory_space<vmem>> -> memref<1x1x128x32xf32, #tpu.memory_space<vmem>>
    %dma_wait3A_408 = tpu.memref_squeeze %dma_wait3A_407 : memref<1x1x128x32xf32, #tpu.memory_space<vmem>> -> memref<128x32xf32, #tpu.memory_space<vmem>>
    %dma_wait3A_409 = arith.constant 32 : i32
    %dma_wait3A_410 = tpu.memref_slice %arg7[%dma_wait3A_403, %mul3A_2, %dma_wait3A_409] : memref<50x4096x128xf32, #tpu.memory_space<hbm>> -> memref<1x128x32xf32, #tpu.memory_space<hbm>>
    %dma_wait3A_411 = tpu.memref_squeeze %dma_wait3A_410 : memref<1x128x32xf32, #tpu.memory_space<hbm>> -> memref<128x32xf32, #tpu.memory_space<hbm>>
    %dma_wait3A_412 = tpu.memref_slice %arg11[%dma_wait3A_404] : memref<4x!tpu.dma_semaphore, #tpu.memory_space<semaphore_mem>> -> memref<1x!tpu.dma_semaphore, #tpu.memory_space<semaphore_mem>>
    %dma_wait3A_413 = tpu.memref_squeeze %dma_wait3A_412 : memref<1x!tpu.dma_semaphore, #tpu.memory_space<semaphore_mem>> -> memref<!tpu.dma_semaphore, #tpu.memory_space<semaphore_mem>>
    %dma_wait3A_414 = arith.constant 32 : i32
    %dma_wait3A_415 = tpu.memref_slice %arg7[%dma_wait3A_403, %mul3A_2, %dma_wait3A_414] : memref<50x4096x128xf32, #tpu.memory_space<hbm>> -> memref<1x128x32xf32, #tpu.memory_space<hbm>>
    %dma_wait3A_416 = tpu.memref_squeeze %dma_wait3A_415 : memref<1x128x32xf32, #tpu.memory_space<hbm>> -> memref<128x32xf32, #tpu.memory_space<hbm>>
    %dma_wait3A_417 = arith.constant 0 : i32
    %dma_wait3A_418 = arith.constant 0 : i32
    %dma_wait3A_419 = tpu.memref_slice %arg9[%dma_wait3A_401, %dma_wait3A_402, %dma_wait3A_417, %dma_wait3A_418] : memref<4x4x128x32xf32, #tpu.memory_space<vmem>> -> memref<1x1x128x32xf32, #tpu.memory_space<vmem>>
    %dma_wait3A_420 = tpu.memref_squeeze %dma_wait3A_419 : memref<1x1x128x32xf32, #tpu.memory_space<vmem>> -> memref<128x32xf32, #tpu.memory_space<vmem>>
    tpu.wait_dma2 semaphore(%dma_wait3A_413 : memref<!tpu.dma_semaphore, #tpu.memory_space<semaphore_mem>>) src(%dma_wait3A_420 : memref<128x32xf32, #tpu.memory_space<vmem>>) dst(%dma_wait3A_416 : memref<128x32xf32, #tpu.memory_space<hbm>>)
    %dma_wait3A_421 = arith.constant 1 : i32
    %dma_wait3A_422 = arith.constant 2 : i32
    %dma_wait3A_423 = arith.constant 49 : i32
    %dma_wait3A_424 = arith.constant 1 : i32
    %dma_wait3A_425 = arith.constant 0 : i32
    %dma_wait3A_426 = arith.constant 0 : i32
    %dma_wait3A_427 = tpu.memref_slice %arg9[%dma_wait3A_421, %dma_wait3A_422, %dma_wait3A_425, %dma_wait3A_426] : memref<4x4x128x32xf32, #tpu.memory_space<vmem>> -> memref<1x1x128x32xf32, #tpu.memory_space<vmem>>
    %dma_wait3A_428 = tpu.memref_squeeze %dma_wait3A_427 : memref<1x1x128x32xf32, #tpu.memory_space<vmem>> -> memref<128x32xf32, #tpu.memory_space<vmem>>
    %dma_wait3A_429 = arith.constant 64 : i32
    %dma_wait3A_430 = tpu.memref_slice %arg7[%dma_wait3A_423, %mul3A_2, %dma_wait3A_429] : memref<50x4096x128xf32, #tpu.memory_space<hbm>> -> memref<1x128x32xf32, #tpu.memory_space<hbm>>
    %dma_wait3A_431 = tpu.memref_squeeze %dma_wait3A_430 : memref<1x128x32xf32, #tpu.memory_space<hbm>> -> memref<128x32xf32, #tpu.memory_space<hbm>>
    %dma_wait3A_432 = tpu.memref_slice %arg11[%dma_wait3A_424] : memref<4x!tpu.dma_semaphore, #tpu.memory_space<semaphore_mem>> -> memref<1x!tpu.dma_semaphore, #tpu.memory_space<semaphore_mem>>
    %dma_wait3A_433 = tpu.memref_squeeze %dma_wait3A_432 : memref<1x!tpu.dma_semaphore, #tpu.memory_space<semaphore_mem>> -> memref<!tpu.dma_semaphore, #tpu.memory_space<semaphore_mem>>
    %dma_wait3A_434 = arith.constant 64 : i32
    %dma_wait3A_435 = tpu.memref_slice %arg7[%dma_wait3A_423, %mul3A_2, %dma_wait3A_434] : memref<50x4096x128xf32, #tpu.memory_space<hbm>> -> memref<1x128x32xf32, #tpu.memory_space<hbm>>
    %dma_wait3A_436 = tpu.memref_squeeze %dma_wait3A_435 : memref<1x128x32xf32, #tpu.memory_space<hbm>> -> memref<128x32xf32, #tpu.memory_space<hbm>>
    %dma_wait3A_437 = arith.constant 0 : i32
    %dma_wait3A_438 = arith.constant 0 : i32
    %dma_wait3A_439 = tpu.memref_slice %arg9[%dma_wait3A_421, %dma_wait3A_422, %dma_wait3A_437, %dma_wait3A_438] : memref<4x4x128x32xf32, #tpu.memory_space<vmem>> -> memref<1x1x128x32xf32, #tpu.memory_space<vmem>>
    %dma_wait3A_440 = tpu.memref_squeeze %dma_wait3A_439 : memref<1x1x128x32xf32, #tpu.memory_space<vmem>> -> memref<128x32xf32, #tpu.memory_space<vmem>>
    tpu.wait_dma2 semaphore(%dma_wait3A_433 : memref<!tpu.dma_semaphore, #tpu.memory_space<semaphore_mem>>) src(%dma_wait3A_440 : memref<128x32xf32, #tpu.memory_space<vmem>>) dst(%dma_wait3A_436 : memref<128x32xf32, #tpu.memory_space<hbm>>)
    %dma_wait3A_441 = arith.constant 1 : i32
    %dma_wait3A_442 = arith.constant 3 : i32
    %dma_wait3A_443 = arith.constant 49 : i32
    %dma_wait3A_444 = arith.constant 1 : i32
    %dma_wait3A_445 = arith.constant 0 : i32
    %dma_wait3A_446 = arith.constant 0 : i32
    %dma_wait3A_447 = tpu.memref_slice %arg9[%dma_wait3A_441, %dma_wait3A_442, %dma_wait3A_445, %dma_wait3A_446] : memref<4x4x128x32xf32, #tpu.memory_space<vmem>> -> memref<1x1x128x32xf32, #tpu.memory_space<vmem>>
    %dma_wait3A_448 = tpu.memref_squeeze %dma_wait3A_447 : memref<1x1x128x32xf32, #tpu.memory_space<vmem>> -> memref<128x32xf32, #tpu.memory_space<vmem>>
    %dma_wait3A_449 = arith.constant 96 : i32
    %dma_wait3A_450 = tpu.memref_slice %arg7[%dma_wait3A_443, %mul3A_2, %dma_wait3A_449] : memref<50x4096x128xf32, #tpu.memory_space<hbm>> -> memref<1x128x32xf32, #tpu.memory_space<hbm>>
    %dma_wait3A_451 = tpu.memref_squeeze %dma_wait3A_450 : memref<1x128x32xf32, #tpu.memory_space<hbm>> -> memref<128x32xf32, #tpu.memory_space<hbm>>
    %dma_wait3A_452 = tpu.memref_slice %arg11[%dma_wait3A_444] : memref<4x!tpu.dma_semaphore, #tpu.memory_space<semaphore_mem>> -> memref<1x!tpu.dma_semaphore, #tpu.memory_space<semaphore_mem>>
    %dma_wait3A_453 = tpu.memref_squeeze %dma_wait3A_452 : memref<1x!tpu.dma_semaphore, #tpu.memory_space<semaphore_mem>> -> memref<!tpu.dma_semaphore, #tpu.memory_space<semaphore_mem>>
    %dma_wait3A_454 = arith.constant 96 : i32
    %dma_wait3A_455 = tpu.memref_slice %arg7[%dma_wait3A_443, %mul3A_2, %dma_wait3A_454] : memref<50x4096x128xf32, #tpu.memory_space<hbm>> -> memref<1x128x32xf32, #tpu.memory_space<hbm>>
    %dma_wait3A_456 = tpu.memref_squeeze %dma_wait3A_455 : memref<1x128x32xf32, #tpu.memory_space<hbm>> -> memref<128x32xf32, #tpu.memory_space<hbm>>
    %dma_wait3A_457 = arith.constant 0 : i32
    %dma_wait3A_458 = arith.constant 0 : i32
    %dma_wait3A_459 = tpu.memref_slice %arg9[%dma_wait3A_441, %dma_wait3A_442, %dma_wait3A_457, %dma_wait3A_458] : memref<4x4x128x32xf32, #tpu.memory_space<vmem>> -> memref<1x1x128x32xf32, #tpu.memory_space<vmem>>
    %dma_wait3A_460 = tpu.memref_squeeze %dma_wait3A_459 : memref<1x1x128x32xf32, #tpu.memory_space<vmem>> -> memref<128x32xf32, #tpu.memory_space<vmem>>
    tpu.wait_dma2 semaphore(%dma_wait3A_453 : memref<!tpu.dma_semaphore, #tpu.memory_space<semaphore_mem>>) src(%dma_wait3A_460 : memref<128x32xf32, #tpu.memory_space<vmem>>) dst(%dma_wait3A_456 : memref<128x32xf32, #tpu.memory_space<hbm>>)
    return
  }
}

</mosaic_0001>

<sc_bundles>
// kernel: kernel.3.cloned.1.call-start
scs
__scs_entry_jumppad:
0x0: {  	(pc) =	sbr.rel $0x88, $3  }
0x1: {  	(tag) =	ssettag $0x0;
	lr =	simm.s32 $0x1  }
0x2: {  	[smem:$0x3F9C] =	sst lr;
	_ =	strace $0xD0000000  }
0x3: {  	_ = 	snop  }
0x4: {  	_ = 	snop  }
0x5: {  	_ = 	snop  }
0x6: {  	_ = 	snop  }
0x7: {  	_ = 	snop  }
__scs_overlays_trampoline_lowered:
0x8: {  	[smem:$0x3FAB] =	sst s0  }
0x9: {  	[smem:$0x3FAC] =	sst s1  }
0xa: {  	[smem:$0x3FAD] =	sst s2  }
0xb: {  	[smem:$0x3FAE] =	sst s3  }
0xc: {  	[smem:$0x3FAF] =	sst s4  }
0xd: {  	[smem:$0x3FB0] =	sst s5  }
0xe: {  	[smem:$0x3FB1] =	sst s6  }
0xf: {  	[smem:$0x3FB2] =	sst s7  }
0x10: {  	[smem:$0x3FB3] =	sst s8  }
0x11: {  	[smem:$0x3FB4] =	sst s9;
	s0 =	simm.s32 @!p0 $0x0  }
0x12: {  	s1 =	sld [smem:$0x3F9A];
	s0 =	simm.s32 @p0 $0x1  }
0x13: {  	[smem:$0x3FB5] =	sst s0;
	s0 =	simm.s32 @!p1 $0x0  }
0x14: {  	s2 =	sld [smem:$0x3F99];
	s0 =	simm.s32 @p1 $0x1  }
0x15: {  	[smem:$0x3FB6] =	sst s0;
	s0 =	simm.s32 @!p2 $0x0  }
0x16: {  	s3 =	sld [smem:$0x3FDB];
	s0 =	simm.s32 @p2 $0x1  }
0x17: {  	s4 =	simm.s32 $0x1BF5;
	[smem:$0x3FB8] =	sst s0  }
0x18: {  	s0 =	sld [smem:$0x3F9B];
	_ =	swait.ge [sflag:s4], $0x0  }
0x19: {  	s7 =	sld [smem:$0x3F9C]  }
0x1a: {  	s8 =	sadd.s32 $0xFFFFE003, lr  }
0x1b: {  	s9 =	sadd.s32 $0xFFFFFEF7, lr;
	s5 =	simm.s32 $0xFFFFFFFF;
	p2 =	slt.u32 s8, $0xFFFFF086  }
0x1c: {  	p1 =	slt.u32 s9, $0xF7A;
	s5 =	simm.s32 @!p2 $0x0  }
0x1d: {  	s5 =	simm.s32 @p1 $0x1;
	p0 =	seq.s32 s7, s2  }
0x1e: {  	s7 =	smul.u32 @!p0 $0xF7A, s2;
	p2 =	seq.s32 @!p0 s5, $0x0  }
0x1f: {  	s9 =	smul.u32 $0xF7A, s1;
	s8 =	simm.s32 @!p0 $0x1BF5;
	p2 =	por !p2, p0  }
0x20: {  	[sflag:s8] =	ssyncset.s32 @!p0 $0xFFFFF086;
	s6 =	sadd.s32 @!p0 s3, s7;
	s7 =	simm.s32 @!p0 $0x108  }
0x21: {  	s3 =	sadd.s32 s3, s9;
	s6 =	sadd.s32 @!p0 $0x88, s6;
	s7 =	simm.s32 @p2 $0x1082  }
0x22: {  	[simem:s7], [sflag:s8] =	dma.local @!p0 [hbm:s6], $0xF7A  }
0x23: {  	s9 =	sor.u32 $0xD0000000, s2;
	s6 =	simm.s32 $0x108;
	_ =	swait.ge @!p0 [sflag:s8], $0x0  }
0x24: {  	s3 =	sadd.s32 $0x88, s3;
	s6 =	simm.s32 @!p1 $0x1082;
	[sflag:s4] =	ssyncset.s32 $0xFFFFF086  }
0x25: {  	[simem:s6], [sflag:s4] =	dma.local [hbm:s3], $0xF7A  }
0x26: {  	[smem:$0x3F9C] =	sst s1;
	(tag) =	ssettag s2;
	_ =	strace s9  }
0x27: {  	s1 =	sld [smem:$0x3FAC]  }
0x28: {  	s2 =	sld [smem:$0x3FAD]  }
0x29: {  	s4 =	sld [smem:$0x3FAF]  }
0x2a: {  	p0 =	seq.s32 s5, $0x0;
	s5 =	sld [smem:$0x3FB0]  }
0x2b: {  	s6 =	sld [smem:$0x3FB1]  }
0x2c: {  	s7 =	sld [smem:$0x3FB2]  }
0x2d: {  	s3 =	simm.s32 $0x108;
	s8 =	sld [smem:$0x3FB3]  }
0x2e: {  	s3 =	simm.s32 @!p0 $0x1082;
	s9 =	sld [smem:$0x3FB4]  }
0x2f: {  	lr =	sadd.s32 s0, s3;
	s0 =	sld [smem:$0x3FAB]  }
0x30: {  	s3 =	sld [smem:$0x3FAE]  }
0x31: {  	[smem:$0x3FB7] =	sst s10  }
0x32: {  	s10 =	sld [smem:$0x3FB5];
	_ =	sdelay $0x3  }
0x33: {  	p0 =	seq.s32 s10, $0x1;
	s10 =	sld [smem:$0x3FB7];
	_ =	sdelay $0x3  }
0x34: {  	[smem:$0x3FB7] =	sst s10  }
0x35: {  	s10 =	sld [smem:$0x3FB6];
	_ =	sdelay $0x3  }
0x36: {  	p1 =	seq.s32 s10, $0x1;
	s10 =	sld [smem:$0x3FB7];
	_ =	sdelay $0x3  }
0x37: {  	[smem:$0x3FB7] =	sst s10  }
0x38: {  	s10 =	sld [smem:$0x3FB8]  }
0x39: {  	_ = 	snop;
	(pc) =	sbr.ind lr, $3  }
0x3a: {  	_ = 	snop  }
0x3b: {  	_ = 	snop  }
0x3c: {  	p2 =	seq.s32 s10, $0x1;
	s10 =	sld [smem:$0x3FB7]  }
0x3d: {  	_ =	shalt  }
0x3e: {  	_ =	shalt  }
0x3f: {  	_ =	shalt  }
0x40: {  	_ =	shalt  }
0x41: {  	_ =	shalt  }
0x42: {  	_ =	shalt  }
0x43: {  	_ =	shalt  }
0x44: {  	_ =	shalt  }
0x45: {  	_ =	shalt  }
0x46: {  	_ =	shalt  }
0x47: {  	_ =	shalt  }
0x48: {  	_ =	shalt  }
0x49: {  	_ =	shalt  }
0x4a: {  	_ =	shalt  }
0x4b: {  	_ =	shalt  }
0x4c: {  	_ =	shalt  }
0x4d: {  	_ =	shalt  }
0x4e: {  	_ =	shalt  }
0x4f: {  	_ =	shalt  }
0x50: {  	_ =	shalt  }
0x51: {  	_ =	shalt  }
0x52: {  	_ =	shalt  }
0x53: {  	_ =	shalt  }
0x54: {  	_ =	shalt  }
0x55: {  	_ =	shalt  }
0x56: {  	_ =	shalt  }
0x57: {  	_ =	shalt  }
0x58: {  	_ =	shalt  }
0x59: {  	_ =	shalt  }
0x5a: {  	_ =	shalt  }
0x5b: {  	_ =	shalt  }
0x5c: {  	_ =	shalt  }
0x5d: {  	_ =	shalt  }
0x5e: {  	_ =	shalt  }
0x5f: {  	_ =	shalt  }
0x60: {  	_ =	shalt  }
0x61: {  	_ =	shalt  }
0x62: {  	_ =	shalt  }
0x63: {  	_ =	shalt  }
0x64: {  	_ =	shalt  }
0x65: {  	_ =	shalt  }
0x66: {  	_ =	shalt  }
0x67: {  	_ =	shalt  }
0x68: {  	_ =	shalt  }
0x69: {  	_ =	shalt  }
0x6a: {  	_ =	shalt  }
0x6b: {  	_ =	shalt  }
0x6c: {  	_ =	shalt  }
0x6d: {  	_ =	shalt  }
0x6e: {  	_ =	shalt  }
0x6f: {  	_ =	shalt  }
0x70: {  	_ =	shalt  }
0x71: {  	_ =	shalt  }
0x72: {  	_ =	shalt  }
0x73: {  	_ =	shalt  }
0x74: {  	_ =	shalt  }
0x75: {  	_ =	shalt  }
0x76: {  	_ =	shalt  }
0x77: {  	_ =	shalt  }
0x78: {  	_ =	shalt  }
0x79: {  	_ =	shalt  }
0x7a: {  	_ =	shalt  }
0x7b: {  	_ =	shalt  }
0x7c: {  	_ =	shalt  }
0x7d: {  	_ =	shalt  }
0x7e: {  	_ =	shalt  }
0x7f: {  	_ =	shalt  }
0x80: {  	_ =	shalt  }
0x81: {  	_ =	shalt  }
0x82: {  	_ =	shalt  }
0x83: {  	_ =	shalt  }
0x84: {  	_ =	shalt  }
0x85: {  	_ =	shalt  }
0x86: {  	_ =	shalt  }
0x87: {  	_ =	shalt  }
.Lfunc_end0:
.L_simem_size_0:
called_computation_lowered:
.L_overlay_start_0:
0x88: {  	s2 =	sld [smem:$0x3FD9]  }
0x89: {  	s3 =	sld [smem:$0x3FFE];
	_ =	sdelay $0x1  }
0x8a: {  	s1 =	srdreg.scid  }
0x8b: {  	s0 =	sand.u32 $0x1, s1  }
0x8c: {  	s17 =	sshll.u32 s0, $0xA;
	s2 =	sadd.s32 s3, s2  }
0x8d: {  	s2 =	sadd.s32 s2, s17  }
0x8e: {  	[smem:$0x3FC3] =	sst s2  }
0x8f: {  	_ = 	snop  }
0x90: {  	s2 =	sld [smem:$0x3FC9]  }
0x91: {  	s18 =	sld [smem:$0x3FD0];
	(tm) =	ssettm $0x1  }
0x92: {  	s4 =	sld [smem:$0x3FFB];
	_ =	sdelay $0x3  }
0x93: {  	_ =	strace s4  }
0x94: {  	s4 =	sld [smem:$0x3FFC];
	_ =	sdelay $0x3  }
0x95: {  	_ =	strace s4  }
0x96: {  	s4 =	sld [smem:$0x3FFD];
	_ =	sdelay $0x3  }
0x97: {  	_ =	strace s4  }
0x98: {  	_ =	strace $0x8FFFFFFF  }
0x99: {  	s19 =	sld [smem:$0x3FDB];
	_ =	sdelay $0x1  }
0x9a: {  	s5 =	simm.s32 $_scs_section_size  }
0x9b: {  	s6 =	simm.s32 $_size__tile_overlayer_lowered;
	s7 =	simm.s32 $_tile_overlayer_lowered  }
0x9c: {  	s22 =	simm.s32 $0x1BFF;
	s21 =	sshll.u32 s7, $0x1;
	s4 =	sadd.s32 s5, s19  }
0x9d: {  	s8 =	simm.s32 $0x0;
	s20 =	sshll.u32 s6, $0x1;
	s6 =	sadd.s32 s21, s4  }
0x9e: {  	[timem:s8], [sflag:s22] =	dma.local [hbm:s6], s20  }
0x9f: {  	_ =	swait.ge [sflag:s22], s20  }
0xa0: {  	s5 =	ssub.s32 $0x0, s20;
	[sflag:s22] =	ssyncset.done $0x0  }
0xa1: {  	[sflag:s22] =	ssyncadd.s32 s5;
	_ =	sdelay $0x1  }
0xa2: {  	s23 =	simm.s32 $0x1B8B  }
0xa3: {  	_ =	swait.ge [sflag:s23], $0x1  }
0xa4: {  	[sflag:s23] =	ssyncset.done $0x0  }
0xa5: {  	s25 =	simm.s32 $0x1B8E;
	s24 =	sld [smem:$0x3FFE];
	[sflag:s23] =	ssyncadd.s32 $0xFFFFFFFF  }
0xa6: {  	s26 =	simm.s32 $execute0_lowered;
	[smem:$0x3FD2] =	sst s25  }
0xa7: {  	s6 =	sshll.u32 s26, $0x1;
	_ =	strace $0x80000046;
	[dreg:$0x1] =	wrdreg $0xFFFFFFFF  }
0xa8: {  	s28 =	simm.s32 $_size_execute0_lowered;
	s4 =	sadd.s32 s4, s6;
	[dreg:$0x0] =	wrdreg $0x0  }
0xa9: {  	s6 =	sshll.u32 s28, $0x1;
	[dreg:$0x2] =	wrdreg s4  }
0xaa: {  	[dreg:$0x3] =	wrdreg s6  }
0xab: {  	[dreg:$0x4] =	wrdreg $0xC0  }
0xac: {  	_ =	task [dreg:s8], $0x5FFFF  }
0xad: {  	[dreg:$0x1] =	wrdreg $0xFFFFFFFF  }
0xae: {  	[dreg:$0x0] =	wrdreg $0x60  }
0xaf: {  	[dreg:$0x2] =	wrdreg s2  }
0xb0: {  	[dreg:$0x3] =	wrdreg s24  }
0xb1: {  	[dreg:$0x4] =	wrdreg s18  }
0xb2: {  	[dreg:$0x5] =	wrdreg $0x9  }
0xb3: {  	_ =	task.clear_ibuf [dreg:s8], $0x6FFFF;
	_ =	strace $0x90000046  }
0xb4: {  	s29 =	simm.s32 $0x9;
	_ =	strace $0x80000048  }
0xb5: {  	_ =	swait.ge [sflag:s29], $0x1  }
0xb6: {  	[sflag:s29] =	ssyncadd.s32 $0xFFFFFFFF  }
0xb7: {  	_ =	strace $0x90000048  }
0xb8: {  	_ =	sfence  }
0xb9: {  	s30 =	sld [smem:$0x0];
	_ =	sdelay $0x2  }
0xba: {  	s31 =	sshll.u32 s1, $0xD;
	s1 =	sshrl.u32 s1, $0x2  }
0xbb: {  	s3 =	sand.u32 $0x4000, s31;
	s1 =	sadd.s32 s1, s30  }
0xbc: {  	s0 =	sor.u32 s3, s0;
	s1 =	sshll.u32 s1, $0x11  }
0xbd: {  	s0 =	sor.u32 s1, s0  }
0xbe: {  	s0 =	sadd.s32 $0x8F2B, s0  }
0xbf: {  	[sflag:s0] =	ssyncadd.remote.s32 $0x1  }
0xc0: {  	_ =	sfence.sel $0xFFFF  }
0xc1: {  	[dreg:$0x0] =	wrdreg $0xFFFFFFFF;
	(pc) =	sbr.abs _section_cstart, $3  }
0xc2: {  	[dreg:$0x1] =	wrdreg $0xFFFFFFFF  }
0xc3: {  	_ =	task.clear_ibuf [dreg:s8], $0x2FFFF;
	_ =	strace $0x9FFFFFFF  }
0xc4: {  	(tm) =	ssettm $0x7FFFFFFF  }
0xc5: {  	_ =	shalt  }
tec
execute0_lowered:
.L_overlay_start_1:
0x0: {  	(tag) =	ssettag $0x1  }
0x1: {  	s0 =	rddreg [dreg:$0x0]  }
0x2: {  	s3 =	rddreg [dreg:$0x1]  }
0x3: {  	s7 =	rddreg [dreg:$0x2];
	s1 =	simm.s32 $0x0;
	s2 =	srdreg.scid  }
0x4: {  	s11 =	stileid.u32;
	s12 =	simm.s32 $0x80;
	s28 =	simm.s32 $0x7  }
0x5: {  	s29 =	simm.s32 $0x8;
	s30 =	simm.s32 $0x5;
	s31 =	simm.s32 $0x6  }
0x6: {  	[smem:$0x7FF] =	sst s1;
	s8 =	sand.u32 $0x1, s2;
	s2 =	sadd.s32 $0x3400, s3  }
0x7: {  	s4 =	sadd.s32 $0x65000, s3;
	s5 =	sadd.s32 $0xC6C00, s3;
	s6 =	sadd.s32 $0x128800, s3  }
0x8: {  	s22 =	sshll.u32 s11, $0x7;
	s11 =	sshll.u32 s11, $0xC;
	_ =	strace $0x80000047  }
0x9: {  	s9 =	ssub.s32 $0x2, s8;
	s23 =	sshll.u32 s8, $0x6;
	s24 =	sadd.s32 s11, s7  }
0xa: {  	s25 =	sshll.u32 s8, $0xB;
	s11 =	simm.s32 $0x9;
	s10 =	sshrl.u32 s9, $0x1  }
0xb: {  	s26 =	sadd.s32 s25, s24;
	s21 =	ssub.s32 s9, s10;
	s9 =	sor.u32 s23, s22  }
0xc: {  	[dreg:$0x4] =	wrdreg s26;
	s26 =	simm.s32 $0x20;
	s7 =	sadd.s32 s0, s9  }
0xd: {  	s8 =	smax.u32 s21, $0x1;
	s9 =	simm.s32 $0x200;
	s0 =	simm.s32 $0x0  }
.LBB2_1:
0xe: {  	s3 =	simm.s32 $0x4000  }
0xf: {  	[tilespmem:s1], [sflag:$0x9] =	stream.strided.gather [hbm4b:s7+s9], $0x6400, s3, s9, $0x38;
	[tilespmem:$0x16400] =	vst v63  }
0x10: {  	_ =	swait.ge [sflag:s11], $0x6400  }
0x11: {  	[sflag:s11] =	ssyncset.done $0x0  }
0x12: {  	s13 =	simm.s32 $0x6400;
	[sflag:s11] =	ssyncadd.s32 $0xFFFF9C00  }
0x13: {  	[tilespmem:s13], [sflag:$0x1] =	stream.indirect.gather [hbm4b:s2+s12], $0x20, s1, s12, $0xb8;
	[tilespmem:$0x16400] =	vst v63  }
0x14: {  	s14 =	simm.s32 $0x7400  }
0x15: {  	[tilespmem:s14], [sflag:$0x1] =	stream.indirect.gather [hbm4b:s4+s12], $0x20, s12, s12, $0xb8;
	[tilespmem:$0x16400] =	vst v63  }
0x16: {  	s15 =	simm.s32 $0x100;
	s10 =	simm.s32 $0x8400  }
0x17: {  	[tilespmem:s10], [sflag:$0x1] =	stream.indirect.gather [hbm4b:s5+s12], $0x20, s15, s12, $0xb8;
	[tilespmem:$0x16400] =	vst v63  }
0x18: {  	s16 =	simm.s32 $0x180;
	s17 =	simm.s32 $0x9400;
	s18 =	simm.s32 $0xA400  }
0x19: {  	[tilespmem:s17], [sflag:$0x1] =	stream.indirect.gather [hbm4b:s6+s12], $0x20, s16, s12, $0xb8;
	[tilespmem:$0x16400] =	vst v63  }
0x1a: {  	s19 =	simm.s32 $0x280;
	s20 =	simm.s32 $0xB400;
	p0 =	por $0x0, $0x0  }
0x1b: {  	[tilespmem:s18], [sflag:$0x2] =	stream.indirect.gather [hbm4b:s2+s12], $0x20, s9, s12, $0xb8;
	[tilespmem:$0x16400] =	vst v63  }
0x1c: {  	s21 =	simm.s32 $0x300;
	s3 =	simm.s32 $0x2;
	p1 =	por @!p0 $0x1, $0x1  }
0x1d: {  	[tilespmem:s20], [sflag:$0x2] =	stream.indirect.gather [hbm4b:s4+s12], $0x20, s19, s12, $0xb8;
	[tilespmem:$0x16400] =	vst v63  }
0x1e: {  	s22 =	simm.s32 $0xC400;
	s3 =	sand.u32 @!p0 $0x3, s3;
	p1 =	por p1, p0  }
0x1f: {  	[tilespmem:s22], [sflag:$0x2] =	stream.indirect.gather [hbm4b:s5+s12], $0x20, s21, s12, $0xb8;
	[tilespmem:$0x16400] =	vst v63  }
0x20: {  	s23 =	simm.s32 $0x380;
	s24 =	simm.s32 $0xD400;
	s10 =	sadd.s32 @!p1 $0x5, s3  }
0x21: {  	[tilespmem:s24], [sflag:$0x2] =	stream.indirect.gather [hbm4b:s6+s12], $0x20, s23, s12, $0xb8;
	[tilespmem:$0x16400] =	vst v63  }
0x22: {  	_ =	swait.ge @!p1 [sflag:s10], $0x1000  }
0x23: {  	[sflag:s10] =	ssyncset.done @!p1 $0x0  }
0x24: {  	[sflag:s10] =	ssyncadd.s32 @!p1 $0xFFFFF000  }
0x25: {  	_ =	swait.ge @!p1 [sflag:s10], $0x1000  }
0x26: {  	[sflag:s10] =	ssyncset.done @!p1 $0x0  }
0x27: {  	[sflag:s10] =	ssyncadd.s32 @!p1 $0xFFFFF000  }
0x28: {  	_ =	swait.ge @!p1 [sflag:s10], $0x1000  }
0x29: {  	[sflag:s10] =	ssyncset.done @!p1 $0x0  }
0x2a: {  	[sflag:s10] =	ssyncadd.s32 @!p1 $0xFFFFF000  }
0x2b: {  	s13 =	sshll.u32 @!p0 s3, $0xE;
	_ =	swait.ge @!p1 [sflag:s10], $0x1000  }
0x2c: {  	s14 =	simm.s32 $0x400;
	s15 =	sadd.s32 @!p0 $0x6400, s13;
	[sflag:s10] =	ssyncset.done @!p1 $0x0  }
0x2d: {  	s3 =	sadd.s32 @!p0 $0x1, s3;
	s16 =	simm.s32 @!p0 $0x80;
	[sflag:s10] =	ssyncadd.s32 @!p1 $0xFFFFF000  }
0x2e: {  	[tilespmem:s15], [sflag:s3] =	stream.indirect.gather @!p0 [hbm4b:s2+s16], $0x20, s14, s16, $0xb8;
	[tilespmem:$0x16400] =	vst v63  }
0x2f: {  	s10 =	sadd.s32 @!p0 $0x7400, s13;
	s14 =	simm.s32 @!p0 $0x480  }
0x30: {  	[tilespmem:s10], [sflag:s3] =	stream.indirect.gather @!p0 [hbm4b:s4+s16], $0x20, s14, s16, $0xb8;
	[tilespmem:$0x16400] =	vst v63  }
0x31: {  	s17 =	sand.u32 $0x3, s1;
	s10 =	sadd.s32 @!p0 $0x8400, s13;
	s14 =	simm.s32 @!p0 $0x500  }
0x32: {  	[tilespmem:s10], [sflag:s3] =	stream.indirect.gather @!p0 [hbm4b:s5+s16], $0x20, s14, s16, $0xb8;
	[tilespmem:$0x16400] =	vst v63  }
0x33: {  	s20 =	sadd.s32 $0x1, s17;
	s10 =	sadd.s32 @!p0 $0x9400, s13;
	s13 =	simm.s32 @!p0 $0x580  }
0x34: {  	[tilespmem:s10], [sflag:s3] =	stream.indirect.gather @!p0 [hbm4b:s6+s16], $0x20, s13, s16, $0xb8;
	[tilespmem:$0x16400] =	vst v63  }
0x35: {  	_ =	swait.ge [sflag:s20], $0x1000  }
0x36: {  	[sflag:s20] =	ssyncset.done $0x0  }
0x37: {  	[sflag:s20] =	ssyncadd.s32 $0xFFFFF000  }
0x38: {  	_ =	swait.ge [sflag:s20], $0x1000  }
0x39: {  	[sflag:s20] =	ssyncset.done $0x0  }
0x3a: {  	s18 =	sshll.u32 s17, $0xE;
	s19 =	sadd.s32 $0x5, s17;
	[sflag:s20] =	ssyncadd.s32 $0xFFFFF000  }
0x3b: {  	s21 =	sadd.s32 $0x6400, s18;
	s22 =	sadd.s32 $0x7400, s18;
	_ =	swait.ge [sflag:s20], $0x1000  }
0x3c: {  	s15 =	simm.s32 $0x2;
	s14 =	simm.s32 $0x20000;
	[sflag:s20] =	ssyncset.done $0x0  }
0x3d: {  	s3 =	simm.s32 $0x10000;
	s10 =	simm.s32 $0x1;
	[sflag:s20] =	ssyncadd.s32 $0xFFFFF000  }
0x3e: {  	s16 =	simm.s32 $0x3;
	p0 =	por $0x0, $0x0;
	_ =	swait.ge [sflag:s20], $0x1000  }
0x3f: {  	s13 =	simm.s32 $0x600;
	s25 =	rddreg [dreg:$0x4];
	[sflag:s20] =	ssyncset.done $0x0  }
0x40: {  	p2 =	por @!p0 $0x1, $0x1;
	[sflag:s20] =	ssyncadd.s32 $0xFFFFF000;
	s17 =	sadd.s32 $0x0, s25  }
0x41: {  	[hbm4b:s17+s26] =	stream.strided.scatter [tilespmem:s21], [sflag:s19], $0x1000, s12, s26, $0x38;
	[tilespmem:$0x16400] =	vst v63  }
0x42: {  	s20 =	sadd.s32 $0x8400, s18;
	s23 =	sadd.s32 $0x4, s17;
	s21 =	sadd.s32 $0x8, s17  }
.LBB2_2:
0x43: {  	[hbm4b:s23+s26] =	stream.strided.scatter [tilespmem:s22], [sflag:s19], $0x1000, s12, s26, $0x38;
	[tilespmem:$0x16400] =	vst v63  }
0x44: {  	s24 =	sand.u32 @!p0 $0x3, s16;
	p2 =	por p2, p0  }
0x45: {  	[hbm4b:s21+s26] =	stream.strided.scatter [tilespmem:s20], [sflag:s19], $0x1000, s12, s26, $0x38;
	[tilespmem:$0x16400] =	vst v63  }
0x46: {  	s18 =	sadd.s32 $0x9400, s18;
	s25 =	sadd.s32 $0xC, s17;
	s20 =	sadd.s32 @!p2 $0x5, s24  }
0x47: {  	[hbm4b:s25+s26] =	stream.strided.scatter [tilespmem:s18], [sflag:s19], $0x1000, s12, s26, $0x38;
	[tilespmem:$0x16400] =	vst v63  }
0x48: {  	_ =	swait.ge @!p2 [sflag:s20], $0x1000  }
0x49: {  	[sflag:s20] =	ssyncset.done @!p2 $0x0  }
0x4a: {  	[sflag:s20] =	ssyncadd.s32 @!p2 $0xFFFFF000  }
0x4b: {  	_ =	swait.ge @!p2 [sflag:s20], $0x1000  }
0x4c: {  	[sflag:s20] =	ssyncset.done @!p2 $0x0  }
0x4d: {  	[sflag:s20] =	ssyncadd.s32 @!p2 $0xFFFFF000  }
0x4e: {  	_ =	swait.ge @!p2 [sflag:s20], $0x1000  }
0x4f: {  	[sflag:s20] =	ssyncset.done @!p2 $0x0  }
0x50: {  	s22 =	sshll.u32 @!p0 s24, $0xE;
	[sflag:s20] =	ssyncadd.s32 @!p2 $0xFFFFF000  }
0x51: {  	s21 =	sadd.s32 @!p0 $0x6400, s22;
	s23 =	sadd.s32 @!p0 $0x7400, s22;
	_ =	swait.ge @!p2 [sflag:s20], $0x1000  }
0x52: {  	s18 =	sadd.s32 @!p0 $0x8400, s22;
	s19 =	sadd.s32 @!p0 $0x9400, s22;
	[sflag:s20] =	ssyncset.done @!p2 $0x0  }
0x53: {  	s22 =	sadd.s32 @!p0 $0x1, s24;
	s24 =	simm.s32 @!p0 $0x80;
	[sflag:s20] =	ssyncadd.s32 @!p2 $0xFFFFF000  }
0x54: {  	[tilespmem:s21], [sflag:s22] =	stream.indirect.gather @!p0 [hbm4b:s2+s24], $0x20, s13, s24, $0xb8;
	[tilespmem:$0x16400] =	vst v63  }
0x55: {  	s20 =	sadd.s32 @!p0 $0x80, s13  }
0x56: {  	[tilespmem:s23], [sflag:s22] =	stream.indirect.gather @!p0 [hbm4b:s4+s24], $0x20, s20, s24, $0xb8;
	[tilespmem:$0x16400] =	vst v63  }
0x57: {  	s25 =	sand.u32 $0x3, s10;
	s21 =	sadd.s32 @!p0 $0x100, s13  }
0x58: {  	[tilespmem:s18], [sflag:s22] =	stream.indirect.gather @!p0 [hbm4b:s5+s24], $0x20, s21, s24, $0xb8;
	[tilespmem:$0x16400] =	vst v63  }
0x59: {  	s23 =	sadd.s32 $0x1, s25;
	s21 =	sadd.s32 @!p0 $0x180, s13  }
0x5a: {  	[tilespmem:s19], [sflag:s22] =	stream.indirect.gather @!p0 [hbm4b:s6+s24], $0x20, s21, s24, $0xb8;
	[tilespmem:$0x16400] =	vst v63  }
0x5b: {  	_ =	swait.ge [sflag:s23], $0x1000  }
0x5c: {  	[sflag:s23] =	ssyncset.done $0x0  }
0x5d: {  	[sflag:s23] =	ssyncadd.s32 $0xFFFFF000  }
0x5e: {  	s17 =	smov.u32 s3;
	_ =	swait.ge [sflag:s23], $0x1000  }
0x5f: {  	s3 =	smov.u32 s14;
	s14 =	sadd.s32 $0x10000, s14;
	[sflag:s23] =	ssyncset.done $0x0  }
0x60: {  	s16 =	sadd.s32 $0x2, s15;
	p1 =	sne.s32 s14, $0x320000;
	[sflag:s23] =	ssyncadd.s32 $0xFFFFF000  }
0x61: {  	s10 =	smov.u32 s15;
	s15 =	sadd.s32 $0x1, s15;
	_ =	swait.ge [sflag:s23], $0x1000  }
0x62: {  	s18 =	sshll.u32 s25, $0xE;
	s13 =	sadd.s32 $0x200, s13;
	[sflag:s23] =	ssyncset.done $0x0  }
0x63: {  	s20 =	sadd.s32 $0x8400, s18;
	p0 =	sgt.u32 s10, $0x2F;
	[sflag:s23] =	ssyncadd.s32 $0xFFFFF000  }
.Ltmp0:
0x64: {  	s19 =	sadd.s32 $0x5, s25;
	_ =	swait.ge [sflag:s23], $0x1000;
	(pc) =	sbr.rel @p1 .LBB2_2-.Ltmp0, $4  }
0x65: {  	s25 =	sadd.s32 $0x6400, s18;
	s22 =	sadd.s32 $0x7400, s18;
	s24 =	rddreg [dreg:$0x4]  }
0x66: {  	p2 =	slt.u32 @!p0 s10, $0x2;
	[sflag:s23] =	ssyncset.done $0x0;
	s17 =	sadd.s32 s17, s24  }
0x67: {  	[sflag:s23] =	ssyncadd.s32 $0xFFFFF000;
	s23 =	sadd.s32 $0x4, s17;
	s21 =	sadd.s32 $0x8, s17  }
0x68: {  	[hbm4b:s17+s26] =	stream.strided.scatter [tilespmem:s25], [sflag:s19], $0x1000, s12, s26, $0x38;
	[tilespmem:$0x16400] =	vst v63  }
0x69: {  	[hbm4b:s23+s26] =	stream.strided.scatter [tilespmem:s22], [sflag:s19], $0x1000, s12, s26, $0x38;
	[tilespmem:$0x16400] =	vst v63  }
0x6a: {  	s14 =	sand.u32 @!p0 $0x3, s16;
	p1 =	por p2, p0  }
0x6b: {  	[hbm4b:s21+s26] =	stream.strided.scatter [tilespmem:s20], [sflag:s19], $0x1000, s12, s26, $0x38;
	[tilespmem:$0x16400] =	vst v63  }
0x6c: {  	s15 =	sadd.s32 $0x9400, s18;
	s25 =	sadd.s32 $0xC, s17;
	s17 =	sadd.s32 @!p1 $0x5, s14  }
0x6d: {  	[hbm4b:s25+s26] =	stream.strided.scatter [tilespmem:s15], [sflag:s19], $0x1000, s12, s26, $0x38;
	[tilespmem:$0x16400] =	vst v63  }
0x6e: {  	_ =	swait.ge @!p1 [sflag:s17], $0x1000  }
0x6f: {  	[sflag:s17] =	ssyncset.done @!p1 $0x0  }
0x70: {  	[sflag:s17] =	ssyncadd.s32 @!p1 $0xFFFFF000  }
0x71: {  	_ =	swait.ge @!p1 [sflag:s17], $0x1000  }
0x72: {  	[sflag:s17] =	ssyncset.done @!p1 $0x0  }
0x73: {  	[sflag:s17] =	ssyncadd.s32 @!p1 $0xFFFFF000  }
0x74: {  	_ =	swait.ge @!p1 [sflag:s17], $0x1000  }
0x75: {  	[sflag:s17] =	ssyncset.done @!p1 $0x0  }
0x76: {  	[sflag:s17] =	ssyncadd.s32 @!p1 $0xFFFFF000  }
0x77: {  	_ =	swait.ge @!p1 [sflag:s17], $0x1000  }
0x78: {  	s18 =	simm.s32 @!p0 $0x80;
	s15 =	sshll.u32 @!p0 s14, $0xE;
	[sflag:s17] =	ssyncset.done @!p1 $0x0  }
0x79: {  	s14 =	sadd.s32 @!p0 $0x1, s14;
	s16 =	sadd.s32 @!p0 $0x6400, s15;
	[sflag:s17] =	ssyncadd.s32 @!p1 $0xFFFFF000  }
0x7a: {  	[tilespmem:s16], [sflag:s14] =	stream.indirect.gather @!p0 [hbm4b:s2+s18], $0x20, s13, s18, $0xb8;
	[tilespmem:$0x16400] =	vst v63  }
0x7b: {  	s17 =	sadd.s32 @!p0 $0x80, s13;
	s16 =	sadd.s32 @!p0 $0x7400, s15  }
0x7c: {  	[tilespmem:s16], [sflag:s14] =	stream.indirect.gather @!p0 [hbm4b:s4+s18], $0x20, s17, s18, $0xb8;
	[tilespmem:$0x16400] =	vst v63  }
0x7d: {  	s10 =	sand.u32 $0x3, s10;
	s16 =	sadd.s32 @!p0 $0x8400, s15;
	s17 =	sadd.s32 @!p0 $0x100, s13  }
0x7e: {  	[tilespmem:s16], [sflag:s14] =	stream.indirect.gather @!p0 [hbm4b:s5+s18], $0x20, s17, s18, $0xb8;
	[tilespmem:$0x16400] =	vst v63  }
0x7f: {  	s15 =	sadd.s32 @!p0 $0x9400, s15;
	s13 =	sadd.s32 @!p0 $0x180, s13;
	s17 =	sadd.s32 $0x1, s10  }
0x80: {  	[tilespmem:s15], [sflag:s14] =	stream.indirect.gather @!p0 [hbm4b:s6+s18], $0x20, s13, s18, $0xb8;
	[tilespmem:$0x16400] =	vst v63  }
0x81: {  	_ =	swait.ge [sflag:s17], $0x1000  }
0x82: {  	[sflag:s17] =	ssyncset.done $0x0  }
0x83: {  	[sflag:s17] =	ssyncadd.s32 $0xFFFFF000  }
0x84: {  	_ =	swait.ge [sflag:s17], $0x1000  }
0x85: {  	[sflag:s17] =	ssyncset.done $0x0  }
0x86: {  	[sflag:s17] =	ssyncadd.s32 $0xFFFFF000  }
0x87: {  	_ =	swait.ge [sflag:s17], $0x1000  }
0x88: {  	[sflag:s17] =	ssyncset.done $0x0  }
0x89: {  	[sflag:s17] =	ssyncadd.s32 $0xFFFFF000  }
0x8a: {  	s19 =	sshll.u32 s10, $0xE;
	_ =	swait.ge [sflag:s17], $0x1000  }
0x8b: {  	s20 =	sadd.s32 $0x6400, s19;
	s18 =	rddreg [dreg:$0x4];
	[sflag:s17] =	ssyncset.done $0x0  }
0x8c: {  	s10 =	sadd.s32 $0x5, s10;
	[sflag:s17] =	ssyncadd.s32 $0xFFFFF000;
	s3 =	sadd.s32 s3, s18  }
0x8d: {  	[hbm4b:s3+s26] =	stream.strided.scatter [tilespmem:s20], [sflag:s10], $0x1000, s12, s26, $0x38;
	[tilespmem:$0x16400] =	vst v63  }
0x8e: {  	s21 =	sadd.s32 $0x7400, s19;
	s22 =	sadd.s32 $0x4, s3  }
0x8f: {  	[hbm4b:s22+s26] =	stream.strided.scatter [tilespmem:s21], [sflag:s10], $0x1000, s12, s26, $0x38;
	[tilespmem:$0x16400] =	vst v63  }
0x90: {  	s23 =	sadd.s32 $0x8400, s19;
	s24 =	sadd.s32 $0x8, s3  }
0x91: {  	[hbm4b:s24+s26] =	stream.strided.scatter [tilespmem:s23], [sflag:s10], $0x1000, s12, s26, $0x38;
	[tilespmem:$0x16400] =	vst v63  }
0x92: {  	s25 =	sadd.s32 $0x9400, s19;
	s3 =	sadd.s32 $0xC, s3  }
0x93: {  	[hbm4b:s3+s26] =	stream.strided.scatter [tilespmem:s25], [sflag:s10], $0x1000, s12, s26, $0x38;
	[tilespmem:$0x16400] =	vst v63  }
0x94: {  	_ =	swait.ge [sflag:s28], $0x1000  }
0x95: {  	[sflag:s28] =	ssyncset.done $0x0  }
0x96: {  	[sflag:s28] =	ssyncadd.s32 $0xFFFFF000  }
0x97: {  	_ =	swait.ge [sflag:s28], $0x1000  }
0x98: {  	[sflag:s28] =	ssyncset.done $0x0  }
0x99: {  	[sflag:s28] =	ssyncadd.s32 $0xFFFFF000  }
0x9a: {  	_ =	swait.ge [sflag:s28], $0x1000  }
0x9b: {  	[sflag:s28] =	ssyncset.done $0x0  }
0x9c: {  	[sflag:s28] =	ssyncadd.s32 $0xFFFFF000  }
0x9d: {  	_ =	swait.ge [sflag:s28], $0x1000  }
0x9e: {  	[sflag:s28] =	ssyncset.done $0x0  }
0x9f: {  	[sflag:s28] =	ssyncadd.s32 $0xFFFFF000  }
0xa0: {  	_ =	swait.ge [sflag:s29], $0x1000  }
0xa1: {  	[sflag:s29] =	ssyncset.done $0x0  }
0xa2: {  	[sflag:s29] =	ssyncadd.s32 $0xFFFFF000  }
0xa3: {  	_ =	swait.ge [sflag:s29], $0x1000  }
0xa4: {  	[sflag:s29] =	ssyncset.done $0x0  }
0xa5: {  	[sflag:s29] =	ssyncadd.s32 $0xFFFFF000  }
0xa6: {  	_ =	swait.ge [sflag:s29], $0x1000  }
0xa7: {  	[sflag:s29] =	ssyncset.done $0x0  }
0xa8: {  	[sflag:s29] =	ssyncadd.s32 $0xFFFFF000  }
0xa9: {  	_ =	swait.ge [sflag:s29], $0x1000  }
0xaa: {  	[sflag:s29] =	ssyncset.done $0x0  }
0xab: {  	[sflag:s29] =	ssyncadd.s32 $0xFFFFF000  }
0xac: {  	_ =	swait.ge [sflag:s30], $0x1000  }
0xad: {  	[sflag:s30] =	ssyncset.done $0x0  }
0xae: {  	[sflag:s30] =	ssyncadd.s32 $0xFFFFF000  }
0xaf: {  	_ =	swait.ge [sflag:s30], $0x1000  }
0xb0: {  	[sflag:s30] =	ssyncset.done $0x0  }
0xb1: {  	[sflag:s30] =	ssyncadd.s32 $0xFFFFF000  }
0xb2: {  	_ =	swait.ge [sflag:s30], $0x1000  }
0xb3: {  	[sflag:s30] =	ssyncset.done $0x0  }
0xb4: {  	[sflag:s30] =	ssyncadd.s32 $0xFFFFF000  }
0xb5: {  	_ =	swait.ge [sflag:s30], $0x1000  }
0xb6: {  	[sflag:s30] =	ssyncset.done $0x0  }
0xb7: {  	[sflag:s30] =	ssyncadd.s32 $0xFFFFF000  }
0xb8: {  	_ =	swait.ge [sflag:s31], $0x1000  }
0xb9: {  	[sflag:s31] =	ssyncset.done $0x0  }
0xba: {  	[sflag:s31] =	ssyncadd.s32 $0xFFFFF000  }
0xbb: {  	_ =	swait.ge [sflag:s31], $0x1000  }
0xbc: {  	[sflag:s31] =	ssyncset.done $0x0  }
0xbd: {  	s0 =	sadd.s32 $0x1, s0;
	[sflag:s31] =	ssyncadd.s32 $0xFFFFF000  }
0xbe: {  	p0 =	sne.s32 s0, s8;
	_ =	swait.ge [sflag:s31], $0x1000  }
.Ltmp1:
0xbf: {  	[sflag:s31] =	ssyncset.done $0x0;
	(pc) =	sbr.rel @p0 .LBB2_1-.Ltmp1, $4  }
0xc0: {  	[sflag:s31] =	ssyncadd.s32 $0xFFFFF000  }
0xc1: {  	_ =	swait.ge [sflag:s31], $0x1000  }
0xc2: {  	[sflag:s31] =	ssyncset.done $0x0  }
0xc3: {  	[sflag:s31] =	ssyncadd.s32 $0xFFFFF000  }
0xc4: {  	_ =	sfence.sel $0x180000  }
0xc5: {  	[bflag:$0x0] =	sbarrier.arrive $0xFFFF  }
0xc6: {  	_ =	strace $0x90000047  }
0xc7: {  	s0 =	stileid.u32;
	[bflag:$0x2] =	sbarrier.arrive $0xFFFF  }
0xc8: {  	p0 =	sne.s32 s0, $0x0;
	s0 =	rddreg [dreg:$0x3]  }
0xc9: {  	s0 =	sadd.s32 @!p0 $0x100000, s0  }
0xca: {  	[sflag:s0] =	ssyncadd.tile.s32 @!p0 $0x1;
	_ =	shalt  }
.Lfunc_end2:
_tile_overlayer_lowered:
.L_overlay_start_2:
0xcb: {  	(tag) =	ssettag $0x2  }
0xcc: {  	s0 =	rddreg [dreg:$0x0];
	s2 =	stileid.u32  }
0xcd: {  	s1 =	rddreg [dreg:$0x1];
	p0 =	sne.s32 s2, $0x0  }
0xce: {  	s3 =	rddreg [dreg:$0x2];
	[bflag:$0x3] =	sbarrier.arrive $0xFFFF;
	s2 =	simm.s32 @!p0 $0x1C09  }
0xcf: {  	[timem:s3], [sflag:s2] =	dma.local @!p0 [hbm:s0], s1  }
0xd0: {  	s0 =	simm.s32 @!p0 $0x9  }
0xd1: {  	_ =	swait.ge @!p0 [sflag:s0], s1  }
0xd2: {  	s1 =	ssub.s32 @!p0 $0x0, s1;
	[sflag:s0] =	ssyncset.done @!p0 $0x0  }
0xd3: {  	[sflag:s0] =	ssyncadd.s32 @!p0 s1  }
0xd4: {  	[bflag:$0x3] =	sbarrier.arrive $0xFFFF  }
0xd5: {  	_ =	shalt  }

</sc_bundles>
